<compile_context>
chip_gen: v7x
topology: tpu7x:2x2x1
jax: 0.10.2.dev20260603
libtpu: 0.0.44.dev20260713+nightly
codegen_flags: <defaults>
</compile_context>

<pallas_src>
import functools

import jax
import jax.numpy as jnp
from jax import lax
from jax.experimental import pallas as pl
from jax.experimental.pallas import tpu as pltpu
from jax.experimental.pallas import tpu_sc as plsc

_B, _N, _M = 4, 4096, 4096
_NW = 32
_CH = (_B * _N) // _NW // _B
_NCK = _B * _N // _CH


def _round_chunk(src_ref, norm_ref, n):
    def body(i, _):
        sl = pl.ds(i * 16, 16)
        v = src_ref[sl]
        norm_ref[sl] = norm_ref[sl] + v * v
        src_ref[sl] = (v * -2.0).astype(jnp.bfloat16).astype(jnp.float32)
        return 0
    lax.fori_loop(0, n // 16, body, 0)


def _round_full(src_ref, norm_ref, n):
    def body(i, _):
        sl = pl.ds(i * 16, 16)
        v = src_ref[sl]
        norm_ref[sl] = norm_ref[sl] + v * v
        src_ref[sl] = v.astype(jnp.bfloat16).astype(jnp.float32)
        return 0
    lax.fori_loop(0, n // 16, body, 0)


def _zero(ref, n):
    def body(i, _):
        ref[pl.ds(i * 16, 16)] = jnp.zeros((16,), jnp.float32)
        return 0
    lax.fori_loop(0, n // 16, body, 0)


def _make_sc_kernel():
    mesh = plsc.VectorSubcoreMesh(core_axis_name="c", subcore_axis_name="s",
                                  num_cores=2)

    @functools.partial(
        pl.kernel, mesh=mesh,
        out_type=jax.ShapeDtypeStruct((_NW, 16), jnp.float32),
        scratch_types=[
            pltpu.VMEM((_CH,), jnp.float32),
            pltpu.VMEM((_CH,), jnp.float32),
            pltpu.VMEM((_CH,), jnp.float32),
            pltpu.VMEM((_CH,), jnp.float32),
            pltpu.VMEM((_M,), jnp.float32),
            pltpu.VMEM((_M,), jnp.float32),
            pltpu.VMEM((_M,), jnp.float32),
            pltpu.VMEM((_M,), jnp.float32),
            pltpu.VMEM((16,), jnp.float32),
        ],
    )
    def sc_kernel(xf_hbm, yf_hbm, out_hbm,
                  c0, c1, c2, cn, f0, f1, f2, fn, ps):
        wid = lax.axis_index("s") * 2 + lax.axis_index("c")
        b = wid // 8
        slot = wid % 8

        psum = jnp.zeros((16,), jnp.float32)

        for direction in (0, 1):
            chunk_hbm = xf_hbm if direction == 0 else yf_hbm
            full_hbm = yf_hbm if direction == 0 else xf_hbm
            nfull = _M if direction == 0 else _N
            inv = 1.0 / (_N * _B) if direction == 0 else 1.0 / (_M * _B)

            cbase = b * 3 * (_N if direction == 0 else _M) + slot * _CH
            fbase = b * 3 * nfull
            nd = _N if direction == 0 else _M

            pltpu.sync_copy(chunk_hbm.at[pl.ds(cbase, _CH)], c0)
            pltpu.sync_copy(chunk_hbm.at[pl.ds(cbase + nd, _CH)], c1)
            pltpu.sync_copy(chunk_hbm.at[pl.ds(cbase + 2 * nd, _CH)], c2)
            pltpu.sync_copy(full_hbm.at[pl.ds(fbase, nfull)], f0)
            pltpu.sync_copy(full_hbm.at[pl.ds(fbase + nfull, nfull)], f1)
            pltpu.sync_copy(full_hbm.at[pl.ds(fbase + 2 * nfull, nfull)], f2)

            _zero(cn, _CH)
            _zero(fn, nfull)
            _round_chunk(c0, cn, _CH)
            _round_chunk(c1, cn, _CH)
            _round_chunk(c2, cn, _CH)
            _round_full(f0, fn, nfull)
            _round_full(f1, fn, nfull)
            _round_full(f2, fn, nfull)

            def group_body(g, acc_psum):
                gsl = pl.ds(g * 16, 16)
                cm0v = c0[gsl]
                cm1v = c1[gsl]
                cm2v = c2[gsl]
                cnv = cn[gsl]

                def scan_body(jv, acc):
                    sl = pl.ds(jv * 16, 16)
                    g0 = f0[sl]
                    g1 = f1[sl]
                    g2 = f2[sl]
                    gn = fn[sl]
                    ds_ = []
                    for l in range(16):
                        xy = (cm0v * g0[l] + cm1v * g1[l]) + cm2v * g2[l]
                        ds_.append((cnv + gn[l]) + xy)
                    while len(ds_) > 1:
                        ds_ = [jnp.minimum(ds_[k], ds_[k + 1])
                               for k in range(0, len(ds_), 2)]
                    return jnp.minimum(acc, ds_[0])

                acc0 = jnp.full((16,), jnp.inf, jnp.float32)
                acc = lax.fori_loop(0, nfull // 16, scan_body, acc0)
                acc_psum = acc_psum + jnp.maximum(acc, 0.0) * inv
                return acc_psum

            psum = lax.fori_loop(0, _CH // 16, group_body, psum)

        ps[...] = psum
        pltpu.sync_copy(ps, out_hbm.at[wid])

    return sc_kernel


def kernel(x, y):
    B, N, _ = x.shape
    M = y.shape[1]
    xf = jnp.transpose(x, (0, 2, 1)).reshape(-1)
    yf = jnp.transpose(y, (0, 2, 1)).reshape(-1)
    out = _make_sc_kernel()(xf, yf)
    return jnp.sum(out[:, 0])

# --- scband reference (transcript-rebuilt; emitter-appended) ---
"""Pipeline reference for scband-chamfer-loss-11742440587475 (READ-ONLY COPY).

The authoritative reference and input builder live on the scoring server;
editing this copy changes nothing except your own understanding.
"""

import jax, jax.numpy as jnp
import numpy as np


def setup_inputs(seed: int = 0) -> dict:
    key = jax.random.key(seed)
    k1, k2 = jax.random.split(key)
    x = jax.random.normal(k1, (4, 4096, 3), dtype=jnp.float32)
    y = jax.random.normal(k2, (4, 4096, 3), dtype=jnp.float32)
    return {"x": x, "y": y}


def _chamfer_distance(x, y):
    # squared pairwise distances via ||x||^2 + ||y||^2 - 2 x.y  -> [B, N, M]
    x2 = jnp.sum(x * x, axis=-1)  # [B, N]
    y2 = jnp.sum(y * y, axis=-1)  # [B, M]
    xy = jnp.einsum('bnd,bmd->bnm', x, y)  # [B, N, M]
    d2 = x2[:, :, None] + y2[:, None, :] - 2.0 * xy
    d2 = jnp.maximum(d2, 0.0)
    # nearest-neighbor retrieval in each direction
    cham_x = jnp.min(d2, axis=2)  # [B, N] : for each x point, nearest y
    cham_y = jnp.min(d2, axis=1)  # [B, M] : for each y point, nearest x
    # point_reduction='mean', batch_reduction='mean' (pytorch3d defaults)
    cham_x = jnp.mean(jnp.mean(cham_x, axis=1), axis=0)
    cham_y = jnp.mean(jnp.mean(cham_y, axis=1), axis=0)
    loss = cham_x + cham_y
    return loss, None


def reference(x, y):
    loss, _ = _chamfer_distance(x, y)
    return loss

if __name__ == "__main__":
    import jax
    _d = setup_inputs()
    print(jax.jit(kernel)(*tuple(_d.values())))

</pallas_src>

<mosaic_0001>
#map = affine_map<(d0, d1) -> (0)>
#map1 = affine_map<(d0, d1) -> (0, 0)>
module attributes {stable_mosaic.version = 14 : i64} {
  func.func @sc_kernel(%arg0: i32, %arg1: i32, %arg2: memref<49152xf32, #tpu.memory_space<hbm>>, %arg3: memref<49152xf32, #tpu.memory_space<hbm>>, %arg4: memref<32x16xf32, #tpu.memory_space<hbm>>, %arg5: memref<128xf32, #tpu.memory_space<vmem>>, %arg6: memref<128xf32, #tpu.memory_space<vmem>>, %arg7: memref<128xf32, #tpu.memory_space<vmem>>, %arg8: memref<128xf32, #tpu.memory_space<vmem>>, %arg9: memref<4096xf32, #tpu.memory_space<vmem>>, %arg10: memref<4096xf32, #tpu.memory_space<vmem>>, %arg11: memref<4096xf32, #tpu.memory_space<vmem>>, %arg12: memref<4096xf32, #tpu.memory_space<vmem>>, %arg13: memref<16xf32, #tpu.memory_space<vmem>>) attributes {dimension_semantics = [#tpu.dimension_semantics<core_parallel>, #tpu.dimension_semantics<subcore_parallel>], iteration_bounds = array<i64: 2, 16>, scalar_prefetch = 0 : i64, scratch_operands = 9 : i64, tpu.core_type = #tpu.core_type<sc_vector_subcore>, window_params = [{transform_indices = #map}, {transform_indices = #map}, {transform_indices = #map1}]} {
    %mul3A = arith.constant 2 : i32
    %mul3A_0 = arith.muli %arg1, %mul3A : i32
    %add3A = arith.addi %mul3A_0, %arg0 : i32
    %jit3A = arith.constant 8 : i32
    %div3A = arith.divsi %add3A, %jit3A : i32
    %sign3A = arith.constant 0 : i32
    %sign3A_1 = arith.cmpi sgt, %add3A, %sign3A : i32
    %sign3A_2 = arith.extui %sign3A_1 : i1 to i32
    %sign3A_3 = arith.constant 0 : i32
    %sign3A_4 = arith.cmpi slt, %add3A, %sign3A_3 : i32
    %sign3A_5 = arith.extui %sign3A_4 : i1 to i32
    %sign3A_6 = arith.subi %sign3A_2, %sign3A_5 : i32
    %sign3A_7 = arith.constant 0 : i32
    %sign3A_8 = arith.cmpi sgt, %jit3A, %sign3A_7 : i32
    %sign3A_9 = arith.extui %sign3A_8 : i1 to i32
    %sign3A_10 = arith.constant 0 : i32
    %sign3A_11 = arith.cmpi slt, %jit3A, %sign3A_10 : i32
    %sign3A_12 = arith.extui %sign3A_11 : i1 to i32
    %sign3A_13 = arith.subi %sign3A_9, %sign3A_12 : i32
    %ne3A = arith.cmpi ne, %sign3A_6, %sign3A_13 : i32
    %rem3A = arith.remsi %add3A, %jit3A : i32
    %ne3A_14 = arith.constant 0 : i32
    %ne3A_15 = arith.cmpi ne, %rem3A, %ne3A_14 : i32
    %and3A = arith.andi %ne3A, %ne3A_15 : i1
    %sub3A = arith.constant 1 : i32
    %sub3A_16 = arith.subi %div3A, %sub3A : i32
    %select_n3A = arith.select %and3A, %sub3A_16, %div3A : i32
    %jit3A_17 = arith.constant 8 : i32
    %eq3A = arith.constant 0 : i32
    %eq3A_18 = arith.cmpi eq, %jit3A_17, %eq3A : i32
    %jit3A_19 = arith.constant 1 : i32
    %select_n3A_20 = arith.select %eq3A_18, %jit3A_19, %jit3A_17 : i32
    %rem3A_21 = arith.remsi %add3A, %select_n3A_20 : i32
    %ne3A_22 = arith.constant 0 : i32
    %ne3A_23 = arith.cmpi ne, %rem3A_21, %ne3A_22 : i32
    %lt3A = arith.constant 0 : i32
    %lt3A_24 = arith.cmpi slt, %rem3A_21, %lt3A : i32
    %lt3A_25 = arith.constant 0 : i32
    %lt3A_26 = arith.cmpi slt, %select_n3A_20, %lt3A_25 : i32
    %ne3A_27 = arith.xori %lt3A_24, %lt3A_26 : i1
    %and3A_28 = arith.andi %ne3A_27, %ne3A_23 : i1
    %add3A_29 = arith.addi %rem3A_21, %select_n3A_20 : i32
    %select_n3A_30 = arith.select %and3A_28, %add3A_29, %rem3A_21 : i32
    %broadcast_in_dim3A = arith.constant 0.000000e+00 : f32
    %broadcast_in_dim3A_31 = vector.broadcast %broadcast_in_dim3A : f32 to vector<16xf32>
    %mul3A_32 = arith.constant 3 : i32
    %mul3A_33 = arith.muli %select_n3A, %mul3A_32 : i32
    %mul3A_34 = arith.constant 4096 : i32
    %mul3A_35 = arith.muli %mul3A_33, %mul3A_34 : i32
    %mul3A_36 = arith.constant 128 : i32
    %mul3A_37 = arith.muli %select_n3A_30, %mul3A_36 : i32
    %add3A_38 = arith.addi %mul3A_35, %mul3A_37 : i32
    %mul3A_39 = arith.constant 3 : i32
    %mul3A_40 = arith.muli %select_n3A, %mul3A_39 : i32
    %mul3A_41 = arith.constant 4096 : i32
    %mul3A_42 = arith.muli %mul3A_40, %mul3A_41 : i32
    "tpu.region"() ({
      %run_scoped3A = tpu.sem_alloc : memref<!tpu.dma_semaphore, #tpu.memory_space<semaphore_mem>>
      %dma_start3A = tpu.memref_slice %arg2[%add3A_38] : memref<49152xf32, #tpu.memory_space<hbm>> -> memref<128xf32, #tpu.memory_space<hbm>>
      %dma_start3A_196 = tpu.memref_slice %arg2[%add3A_38] : memref<49152xf32, #tpu.memory_space<hbm>> -> memref<128xf32, #tpu.memory_space<hbm>>
      tpu.enqueue_dma source(%dma_start3A_196 : memref<128xf32, #tpu.memory_space<hbm>>) target(%arg5 : memref<128xf32, #tpu.memory_space<vmem>>) target_semaphore(%run_scoped3A : memref<!tpu.dma_semaphore, #tpu.memory_space<semaphore_mem>>)
      %dma_wait3A = tpu.memref_slice %arg2[%add3A_38] : memref<49152xf32, #tpu.memory_space<hbm>> -> memref<128xf32, #tpu.memory_space<hbm>>
      %dma_wait3A_197 = tpu.memref_slice %arg2[%add3A_38] : memref<49152xf32, #tpu.memory_space<hbm>> -> memref<128xf32, #tpu.memory_space<hbm>>
      tpu.wait_dma2 semaphore(%run_scoped3A : memref<!tpu.dma_semaphore, #tpu.memory_space<semaphore_mem>>) src(%dma_wait3A_197 : memref<128xf32, #tpu.memory_space<hbm>>) dst(%arg5 : memref<128xf32, #tpu.memory_space<vmem>>)
      tpu.yield
    }) : () -> ()
    %add3A_43 = arith.constant 4096 : i32
    %add3A_44 = arith.addi %add3A_38, %add3A_43 : i32
    "tpu.region"() ({
      %run_scoped3A = tpu.sem_alloc : memref<!tpu.dma_semaphore, #tpu.memory_space<semaphore_mem>>
      %dma_start3A = tpu.memref_slice %arg2[%add3A_44] : memref<49152xf32, #tpu.memory_space<hbm>> -> memref<128xf32, #tpu.memory_space<hbm>>
      %dma_start3A_196 = tpu.memref_slice %arg2[%add3A_44] : memref<49152xf32, #tpu.memory_space<hbm>> -> memref<128xf32, #tpu.memory_space<hbm>>
      tpu.enqueue_dma source(%dma_start3A_196 : memref<128xf32, #tpu.memory_space<hbm>>) target(%arg6 : memref<128xf32, #tpu.memory_space<vmem>>) target_semaphore(%run_scoped3A : memref<!tpu.dma_semaphore, #tpu.memory_space<semaphore_mem>>)
      %dma_wait3A = tpu.memref_slice %arg2[%add3A_44] : memref<49152xf32, #tpu.memory_space<hbm>> -> memref<128xf32, #tpu.memory_space<hbm>>
      %dma_wait3A_197 = tpu.memref_slice %arg2[%add3A_44] : memref<49152xf32, #tpu.memory_space<hbm>> -> memref<128xf32, #tpu.memory_space<hbm>>
      tpu.wait_dma2 semaphore(%run_scoped3A : memref<!tpu.dma_semaphore, #tpu.memory_space<semaphore_mem>>) src(%dma_wait3A_197 : memref<128xf32, #tpu.memory_space<hbm>>) dst(%arg6 : memref<128xf32, #tpu.memory_space<vmem>>)
      tpu.yield
    }) : () -> ()
    %add3A_45 = arith.constant 8192 : i32
    %add3A_46 = arith.addi %add3A_38, %add3A_45 : i32
    "tpu.region"() ({
      %run_scoped3A = tpu.sem_alloc : memref<!tpu.dma_semaphore, #tpu.memory_space<semaphore_mem>>
      %dma_start3A = tpu.memref_slice %arg2[%add3A_46] : memref<49152xf32, #tpu.memory_space<hbm>> -> memref<128xf32, #tpu.memory_space<hbm>>
      %dma_start3A_196 = tpu.memref_slice %arg2[%add3A_46] : memref<49152xf32, #tpu.memory_space<hbm>> -> memref<128xf32, #tpu.memory_space<hbm>>
      tpu.enqueue_dma source(%dma_start3A_196 : memref<128xf32, #tpu.memory_space<hbm>>) target(%arg7 : memref<128xf32, #tpu.memory_space<vmem>>) target_semaphore(%run_scoped3A : memref<!tpu.dma_semaphore, #tpu.memory_space<semaphore_mem>>)
      %dma_wait3A = tpu.memref_slice %arg2[%add3A_46] : memref<49152xf32, #tpu.memory_space<hbm>> -> memref<128xf32, #tpu.memory_space<hbm>>
      %dma_wait3A_197 = tpu.memref_slice %arg2[%add3A_46] : memref<49152xf32, #tpu.memory_space<hbm>> -> memref<128xf32, #tpu.memory_space<hbm>>
      tpu.wait_dma2 semaphore(%run_scoped3A : memref<!tpu.dma_semaphore, #tpu.memory_space<semaphore_mem>>) src(%dma_wait3A_197 : memref<128xf32, #tpu.memory_space<hbm>>) dst(%arg7 : memref<128xf32, #tpu.memory_space<vmem>>)
      tpu.yield
    }) : () -> ()
    "tpu.region"() ({
      %run_scoped3A = tpu.sem_alloc : memref<!tpu.dma_semaphore, #tpu.memory_space<semaphore_mem>>
      %dma_start3A = tpu.memref_slice %arg3[%mul3A_42] : memref<49152xf32, #tpu.memory_space<hbm>> -> memref<4096xf32, #tpu.memory_space<hbm>>
      %dma_start3A_196 = tpu.memref_slice %arg3[%mul3A_42] : memref<49152xf32, #tpu.memory_space<hbm>> -> memref<4096xf32, #tpu.memory_space<hbm>>
      tpu.enqueue_dma source(%dma_start3A_196 : memref<4096xf32, #tpu.memory_space<hbm>>) target(%arg9 : memref<4096xf32, #tpu.memory_space<vmem>>) target_semaphore(%run_scoped3A : memref<!tpu.dma_semaphore, #tpu.memory_space<semaphore_mem>>)
      %dma_wait3A = tpu.memref_slice %arg3[%mul3A_42] : memref<49152xf32, #tpu.memory_space<hbm>> -> memref<4096xf32, #tpu.memory_space<hbm>>
      %dma_wait3A_197 = tpu.memref_slice %arg3[%mul3A_42] : memref<49152xf32, #tpu.memory_space<hbm>> -> memref<4096xf32, #tpu.memory_space<hbm>>
      tpu.wait_dma2 semaphore(%run_scoped3A : memref<!tpu.dma_semaphore, #tpu.memory_space<semaphore_mem>>) src(%dma_wait3A_197 : memref<4096xf32, #tpu.memory_space<hbm>>) dst(%arg9 : memref<4096xf32, #tpu.memory_space<vmem>>)
      tpu.yield
    }) : () -> ()
    %add3A_47 = arith.constant 4096 : i32
    %add3A_48 = arith.addi %mul3A_42, %add3A_47 : i32
    "tpu.region"() ({
      %run_scoped3A = tpu.sem_alloc : memref<!tpu.dma_semaphore, #tpu.memory_space<semaphore_mem>>
      %dma_start3A = tpu.memref_slice %arg3[%add3A_48] : memref<49152xf32, #tpu.memory_space<hbm>> -> memref<4096xf32, #tpu.memory_space<hbm>>
      %dma_start3A_196 = tpu.memref_slice %arg3[%add3A_48] : memref<49152xf32, #tpu.memory_space<hbm>> -> memref<4096xf32, #tpu.memory_space<hbm>>
      tpu.enqueue_dma source(%dma_start3A_196 : memref<4096xf32, #tpu.memory_space<hbm>>) target(%arg10 : memref<4096xf32, #tpu.memory_space<vmem>>) target_semaphore(%run_scoped3A : memref<!tpu.dma_semaphore, #tpu.memory_space<semaphore_mem>>)
      %dma_wait3A = tpu.memref_slice %arg3[%add3A_48] : memref<49152xf32, #tpu.memory_space<hbm>> -> memref<4096xf32, #tpu.memory_space<hbm>>
      %dma_wait3A_197 = tpu.memref_slice %arg3[%add3A_48] : memref<49152xf32, #tpu.memory_space<hbm>> -> memref<4096xf32, #tpu.memory_space<hbm>>
      tpu.wait_dma2 semaphore(%run_scoped3A : memref<!tpu.dma_semaphore, #tpu.memory_space<semaphore_mem>>) src(%dma_wait3A_197 : memref<4096xf32, #tpu.memory_space<hbm>>) dst(%arg10 : memref<4096xf32, #tpu.memory_space<vmem>>)
      tpu.yield
    }) : () -> ()
    %add3A_49 = arith.constant 8192 : i32
    %add3A_50 = arith.addi %mul3A_42, %add3A_49 : i32
    "tpu.region"() ({
      %run_scoped3A = tpu.sem_alloc : memref<!tpu.dma_semaphore, #tpu.memory_space<semaphore_mem>>
      %dma_start3A = tpu.memref_slice %arg3[%add3A_50] : memref<49152xf32, #tpu.memory_space<hbm>> -> memref<4096xf32, #tpu.memory_space<hbm>>
      %dma_start3A_196 = tpu.memref_slice %arg3[%add3A_50] : memref<49152xf32, #tpu.memory_space<hbm>> -> memref<4096xf32, #tpu.memory_space<hbm>>
      tpu.enqueue_dma source(%dma_start3A_196 : memref<4096xf32, #tpu.memory_space<hbm>>) target(%arg11 : memref<4096xf32, #tpu.memory_space<vmem>>) target_semaphore(%run_scoped3A : memref<!tpu.dma_semaphore, #tpu.memory_space<semaphore_mem>>)
      %dma_wait3A = tpu.memref_slice %arg3[%add3A_50] : memref<49152xf32, #tpu.memory_space<hbm>> -> memref<4096xf32, #tpu.memory_space<hbm>>
      %dma_wait3A_197 = tpu.memref_slice %arg3[%add3A_50] : memref<49152xf32, #tpu.memory_space<hbm>> -> memref<4096xf32, #tpu.memory_space<hbm>>
      tpu.wait_dma2 semaphore(%run_scoped3A : memref<!tpu.dma_semaphore, #tpu.memory_space<semaphore_mem>>) src(%dma_wait3A_197 : memref<4096xf32, #tpu.memory_space<hbm>>) dst(%arg11 : memref<4096xf32, #tpu.memory_space<vmem>>)
      tpu.yield
    }) : () -> ()
    %scan3A = arith.constant 0 : i32
    %scan3A_51 = arith.constant 0 : i32
    %scan3A_52 = arith.constant 8 : i32
    %scan3A_53 = arith.addi %scan3A_51, %scan3A_52 : i32
    %scan3A_54 = arith.constant 1 : i32
    %scan3A_55 = scf.for %scan3A_196 = %scan3A_51 to %scan3A_53 step %scan3A_54 iter_args(%scan3A_197 = %scan3A) -> (i32)  : i32 {
      %broadcast_in_dim3A_198 = arith.constant 0.000000e+00 : f32
      %broadcast_in_dim3A_199 = vector.broadcast %broadcast_in_dim3A_198 : f32 to vector<16xf32>
      %mul3A_200 = arith.constant 16 : i32
      %mul3A_201 = arith.muli %scan3A_196, %mul3A_200 : i32
      %swap3A_202 = arith.index_cast %mul3A_201 : i32 to index
      %swap3A_203 = tpu.vector_load %arg8[%swap3A_202] {strides = array<i32>} : memref<128xf32, #tpu.memory_space<vmem>>, vector<16xf32>,
      %swap3A_204 = vector.shape_cast %swap3A_203 : vector<16xf32> to vector<16xf32>
      %swap3A_205 = vector.shape_cast %broadcast_in_dim3A_199 : vector<16xf32> to vector<16xf32>
      tpu.vector_store %arg8[%swap3A_202], %swap3A_205 {strides = array<i32>} : memref<128xf32, #tpu.memory_space<vmem>>, vector<16xf32>,
      %scan3A_206 = arith.constant 0 : i32
      scf.yield %scan3A_206 : i32
    }
    %scan3A_56 = arith.constant 8 : i32
    %scan3A_57 = arith.constant 0 : i32
    %scan3A_58 = arith.constant 0 : i32
    %scan3A_59 = arith.constant 256 : i32
    %scan3A_60 = arith.addi %scan3A_58, %scan3A_59 : i32
    %scan3A_61 = arith.constant 1 : i32
    %scan3A_62 = scf.for %scan3A_196 = %scan3A_58 to %scan3A_60 step %scan3A_61 iter_args(%scan3A_197 = %scan3A_57) -> (i32)  : i32 {
      %broadcast_in_dim3A_198 = arith.constant 0.000000e+00 : f32
      %broadcast_in_dim3A_199 = vector.broadcast %broadcast_in_dim3A_198 : f32 to vector<16xf32>
      %mul3A_200 = arith.constant 16 : i32
      %mul3A_201 = arith.muli %scan3A_196, %mul3A_200 : i32
      %swap3A_202 = arith.index_cast %mul3A_201 : i32 to index
      %swap3A_203 = tpu.vector_load %arg12[%swap3A_202] {strides = array<i32>} : memref<4096xf32, #tpu.memory_space<vmem>>, vector<16xf32>,
      %swap3A_204 = vector.shape_cast %swap3A_203 : vector<16xf32> to vector<16xf32>
      %swap3A_205 = vector.shape_cast %broadcast_in_dim3A_199 : vector<16xf32> to vector<16xf32>
      tpu.vector_store %arg12[%swap3A_202], %swap3A_205 {strides = array<i32>} : memref<4096xf32, #tpu.memory_space<vmem>>, vector<16xf32>,
      %scan3A_206 = arith.constant 0 : i32
      scf.yield %scan3A_206 : i32
    }
    %scan3A_63 = arith.constant 256 : i32
    %scan3A_64 = arith.constant 0 : i32
    %scan3A_65 = arith.constant 0 : i32
    %scan3A_66 = arith.constant 8 : i32
    %scan3A_67 = arith.addi %scan3A_65, %scan3A_66 : i32
    %scan3A_68 = arith.constant 1 : i32
    %scan3A_69 = scf.for %scan3A_196 = %scan3A_65 to %scan3A_67 step %scan3A_68 iter_args(%scan3A_197 = %scan3A_64) -> (i32)  : i32 {
      %mul3A_198 = arith.constant 16 : i32
      %mul3A_199 = arith.muli %scan3A_196, %mul3A_198 : i32
      %get3A = arith.index_cast %mul3A_199 : i32 to index
      %get3A_200 = tpu.vector_load %arg5[%get3A] {strides = array<i32>} : memref<128xf32, #tpu.memory_space<vmem>>, vector<16xf32>,
      %get3A_201 = vector.shape_cast %get3A_200 : vector<16xf32> to vector<16xf32>
      %get3A_202 = arith.index_cast %mul3A_199 : i32 to index
      %get3A_203 = tpu.vector_load %arg8[%get3A_202] {strides = array<i32>} : memref<128xf32, #tpu.memory_space<vmem>>, vector<16xf32>,
      %get3A_204 = vector.shape_cast %get3A_203 : vector<16xf32> to vector<16xf32>
      %mul3A_205 = arith.mulf %get3A_201, %get3A_201 : vector<16xf32>
      %add3A_206 = arith.addf %get3A_204, %mul3A_205 : vector<16xf32>
      %swap3A_207 = arith.index_cast %mul3A_199 : i32 to index
      %swap3A_208 = tpu.vector_load %arg8[%swap3A_207] {strides = array<i32>} : memref<128xf32, #tpu.memory_space<vmem>>, vector<16xf32>,
      %swap3A_209 = vector.shape_cast %swap3A_208 : vector<16xf32> to vector<16xf32>
      %swap3A_210 = vector.shape_cast %add3A_206 : vector<16xf32> to vector<16xf32>
      tpu.vector_store %arg8[%swap3A_207], %swap3A_210 {strides = array<i32>} : memref<128xf32, #tpu.memory_space<vmem>>, vector<16xf32>,
      %mul3A_211 = arith.constant -2.000000e+00 : f32
      %mul3A_212 = vector.broadcast %mul3A_211 : f32 to vector<16xf32>
      %mul3A_213 = arith.mulf %get3A_201, %mul3A_212 : vector<16xf32>
      %convert_element_type3A = arith.truncf %mul3A_213 : vector<16xf32> to vector<16xbf16>
      %convert_element_type3A_214 = arith.extf %convert_element_type3A : vector<16xbf16> to vector<16xf32>
      %swap3A_215 = arith.index_cast %mul3A_199 : i32 to index
      %swap3A_216 = tpu.vector_load %arg5[%swap3A_215] {strides = array<i32>} : memref<128xf32, #tpu.memory_space<vmem>>, vector<16xf32>,
      %swap3A_217 = vector.shape_cast %swap3A_216 : vector<16xf32> to vector<16xf32>
      %swap3A_218 = vector.shape_cast %convert_element_type3A_214 : vector<16xf32> to vector<16xf32>
      tpu.vector_store %arg5[%swap3A_215], %swap3A_218 {strides = array<i32>} : memref<128xf32, #tpu.memory_space<vmem>>, vector<16xf32>,
      %scan3A_219 = arith.constant 0 : i32
      scf.yield %scan3A_219 : i32
    }
    %scan3A_70 = arith.constant 8 : i32
    %scan3A_71 = arith.constant 0 : i32
    %scan3A_72 = arith.constant 0 : i32
    %scan3A_73 = arith.constant 8 : i32
    %scan3A_74 = arith.addi %scan3A_72, %scan3A_73 : i32
    %scan3A_75 = arith.constant 1 : i32
    %scan3A_76 = scf.for %scan3A_196 = %scan3A_72 to %scan3A_74 step %scan3A_75 iter_args(%scan3A_197 = %scan3A_71) -> (i32)  : i32 {
      %mul3A_198 = arith.constant 16 : i32
      %mul3A_199 = arith.muli %scan3A_196, %mul3A_198 : i32
      %get3A = arith.index_cast %mul3A_199 : i32 to index
      %get3A_200 = tpu.vector_load %arg6[%get3A] {strides = array<i32>} : memref<128xf32, #tpu.memory_space<vmem>>, vector<16xf32>,
      %get3A_201 = vector.shape_cast %get3A_200 : vector<16xf32> to vector<16xf32>
      %get3A_202 = arith.index_cast %mul3A_199 : i32 to index
      %get3A_203 = tpu.vector_load %arg8[%get3A_202] {strides = array<i32>} : memref<128xf32, #tpu.memory_space<vmem>>, vector<16xf32>,
      %get3A_204 = vector.shape_cast %get3A_203 : vector<16xf32> to vector<16xf32>
      %mul3A_205 = arith.mulf %get3A_201, %get3A_201 : vector<16xf32>
      %add3A_206 = arith.addf %get3A_204, %mul3A_205 : vector<16xf32>
      %swap3A_207 = arith.index_cast %mul3A_199 : i32 to index
      %swap3A_208 = tpu.vector_load %arg8[%swap3A_207] {strides = array<i32>} : memref<128xf32, #tpu.memory_space<vmem>>, vector<16xf32>,
      %swap3A_209 = vector.shape_cast %swap3A_208 : vector<16xf32> to vector<16xf32>
      %swap3A_210 = vector.shape_cast %add3A_206 : vector<16xf32> to vector<16xf32>
      tpu.vector_store %arg8[%swap3A_207], %swap3A_210 {strides = array<i32>} : memref<128xf32, #tpu.memory_space<vmem>>, vector<16xf32>,
      %mul3A_211 = arith.constant -2.000000e+00 : f32
      %mul3A_212 = vector.broadcast %mul3A_211 : f32 to vector<16xf32>
      %mul3A_213 = arith.mulf %get3A_201, %mul3A_212 : vector<16xf32>
      %convert_element_type3A = arith.truncf %mul3A_213 : vector<16xf32> to vector<16xbf16>
      %convert_element_type3A_214 = arith.extf %convert_element_type3A : vector<16xbf16> to vector<16xf32>
      %swap3A_215 = arith.index_cast %mul3A_199 : i32 to index
      %swap3A_216 = tpu.vector_load %arg6[%swap3A_215] {strides = array<i32>} : memref<128xf32, #tpu.memory_space<vmem>>, vector<16xf32>,
      %swap3A_217 = vector.shape_cast %swap3A_216 : vector<16xf32> to vector<16xf32>
      %swap3A_218 = vector.shape_cast %convert_element_type3A_214 : vector<16xf32> to vector<16xf32>
      tpu.vector_store %arg6[%swap3A_215], %swap3A_218 {strides = array<i32>} : memref<128xf32, #tpu.memory_space<vmem>>, vector<16xf32>,
      %scan3A_219 = arith.constant 0 : i32
      scf.yield %scan3A_219 : i32
    }
    %scan3A_77 = arith.constant 8 : i32
    %scan3A_78 = arith.constant 0 : i32
    %scan3A_79 = arith.constant 0 : i32
    %scan3A_80 = arith.constant 8 : i32
    %scan3A_81 = arith.addi %scan3A_79, %scan3A_80 : i32
    %scan3A_82 = arith.constant 1 : i32
    %scan3A_83 = scf.for %scan3A_196 = %scan3A_79 to %scan3A_81 step %scan3A_82 iter_args(%scan3A_197 = %scan3A_78) -> (i32)  : i32 {
      %mul3A_198 = arith.constant 16 : i32
      %mul3A_199 = arith.muli %scan3A_196, %mul3A_198 : i32
      %get3A = arith.index_cast %mul3A_199 : i32 to index
      %get3A_200 = tpu.vector_load %arg7[%get3A] {strides = array<i32>} : memref<128xf32, #tpu.memory_space<vmem>>, vector<16xf32>,
      %get3A_201 = vector.shape_cast %get3A_200 : vector<16xf32> to vector<16xf32>
      %get3A_202 = arith.index_cast %mul3A_199 : i32 to index
      %get3A_203 = tpu.vector_load %arg8[%get3A_202] {strides = array<i32>} : memref<128xf32, #tpu.memory_space<vmem>>, vector<16xf32>,
      %get3A_204 = vector.shape_cast %get3A_203 : vector<16xf32> to vector<16xf32>
      %mul3A_205 = arith.mulf %get3A_201, %get3A_201 : vector<16xf32>
      %add3A_206 = arith.addf %get3A_204, %mul3A_205 : vector<16xf32>
      %swap3A_207 = arith.index_cast %mul3A_199 : i32 to index
      %swap3A_208 = tpu.vector_load %arg8[%swap3A_207] {strides = array<i32>} : memref<128xf32, #tpu.memory_space<vmem>>, vector<16xf32>,
      %swap3A_209 = vector.shape_cast %swap3A_208 : vector<16xf32> to vector<16xf32>
      %swap3A_210 = vector.shape_cast %add3A_206 : vector<16xf32> to vector<16xf32>
      tpu.vector_store %arg8[%swap3A_207], %swap3A_210 {strides = array<i32>} : memref<128xf32, #tpu.memory_space<vmem>>, vector<16xf32>,
      %mul3A_211 = arith.constant -2.000000e+00 : f32
      %mul3A_212 = vector.broadcast %mul3A_211 : f32 to vector<16xf32>
      %mul3A_213 = arith.mulf %get3A_201, %mul3A_212 : vector<16xf32>
      %convert_element_type3A = arith.truncf %mul3A_213 : vector<16xf32> to vector<16xbf16>
      %convert_element_type3A_214 = arith.extf %convert_element_type3A : vector<16xbf16> to vector<16xf32>
      %swap3A_215 = arith.index_cast %mul3A_199 : i32 to index
      %swap3A_216 = tpu.vector_load %arg7[%swap3A_215] {strides = array<i32>} : memref<128xf32, #tpu.memory_space<vmem>>, vector<16xf32>,
      %swap3A_217 = vector.shape_cast %swap3A_216 : vector<16xf32> to vector<16xf32>
      %swap3A_218 = vector.shape_cast %convert_element_type3A_214 : vector<16xf32> to vector<16xf32>
      tpu.vector_store %arg7[%swap3A_215], %swap3A_218 {strides = array<i32>} : memref<128xf32, #tpu.memory_space<vmem>>, vector<16xf32>,
      %scan3A_219 = arith.constant 0 : i32
      scf.yield %scan3A_219 : i32
    }
    %scan3A_84 = arith.constant 8 : i32
    %scan3A_85 = arith.constant 0 : i32
    %scan3A_86 = arith.constant 0 : i32
    %scan3A_87 = arith.constant 256 : i32
    %scan3A_88 = arith.addi %scan3A_86, %scan3A_87 : i32
    %scan3A_89 = arith.constant 1 : i32
    %scan3A_90 = scf.for %scan3A_196 = %scan3A_86 to %scan3A_88 step %scan3A_89 iter_args(%scan3A_197 = %scan3A_85) -> (i32)  : i32 {
      %mul3A_198 = arith.constant 16 : i32
      %mul3A_199 = arith.muli %scan3A_196, %mul3A_198 : i32
      %get3A = arith.index_cast %mul3A_199 : i32 to index
      %get3A_200 = tpu.vector_load %arg9[%get3A] {strides = array<i32>} : memref<4096xf32, #tpu.memory_space<vmem>>, vector<16xf32>,
      %get3A_201 = vector.shape_cast %get3A_200 : vector<16xf32> to vector<16xf32>
      %get3A_202 = arith.index_cast %mul3A_199 : i32 to index
      %get3A_203 = tpu.vector_load %arg12[%get3A_202] {strides = array<i32>} : memref<4096xf32, #tpu.memory_space<vmem>>, vector<16xf32>,
      %get3A_204 = vector.shape_cast %get3A_203 : vector<16xf32> to vector<16xf32>
      %mul3A_205 = arith.mulf %get3A_201, %get3A_201 : vector<16xf32>
      %add3A_206 = arith.addf %get3A_204, %mul3A_205 : vector<16xf32>
      %swap3A_207 = arith.index_cast %mul3A_199 : i32 to index
      %swap3A_208 = tpu.vector_load %arg12[%swap3A_207] {strides = array<i32>} : memref<4096xf32, #tpu.memory_space<vmem>>, vector<16xf32>,
      %swap3A_209 = vector.shape_cast %swap3A_208 : vector<16xf32> to vector<16xf32>
      %swap3A_210 = vector.shape_cast %add3A_206 : vector<16xf32> to vector<16xf32>
      tpu.vector_store %arg12[%swap3A_207], %swap3A_210 {strides = array<i32>} : memref<4096xf32, #tpu.memory_space<vmem>>, vector<16xf32>,
      %convert_element_type3A = arith.truncf %get3A_201 : vector<16xf32> to vector<16xbf16>
      %convert_element_type3A_211 = arith.extf %convert_element_type3A : vector<16xbf16> to vector<16xf32>
      %swap3A_212 = arith.index_cast %mul3A_199 : i32 to index
      %swap3A_213 = tpu.vector_load %arg9[%swap3A_212] {strides = array<i32>} : memref<4096xf32, #tpu.memory_space<vmem>>, vector<16xf32>,
      %swap3A_214 = vector.shape_cast %swap3A_213 : vector<16xf32> to vector<16xf32>
      %swap3A_215 = vector.shape_cast %convert_element_type3A_211 : vector<16xf32> to vector<16xf32>
      tpu.vector_store %arg9[%swap3A_212], %swap3A_215 {strides = array<i32>} : memref<4096xf32, #tpu.memory_space<vmem>>, vector<16xf32>,
      %scan3A_216 = arith.constant 0 : i32
      scf.yield %scan3A_216 : i32
    }
    %scan3A_91 = arith.constant 256 : i32
    %scan3A_92 = arith.constant 0 : i32
    %scan3A_93 = arith.constant 0 : i32
    %scan3A_94 = arith.constant 256 : i32
    %scan3A_95 = arith.addi %scan3A_93, %scan3A_94 : i32
    %scan3A_96 = arith.constant 1 : i32
    %scan3A_97 = scf.for %scan3A_196 = %scan3A_93 to %scan3A_95 step %scan3A_96 iter_args(%scan3A_197 = %scan3A_92) -> (i32)  : i32 {
      %mul3A_198 = arith.constant 16 : i32
      %mul3A_199 = arith.muli %scan3A_196, %mul3A_198 : i32
      %get3A = arith.index_cast %mul3A_199 : i32 to index
      %get3A_200 = tpu.vector_load %arg10[%get3A] {strides = array<i32>} : memref<4096xf32, #tpu.memory_space<vmem>>, vector<16xf32>,
      %get3A_201 = vector.shape_cast %get3A_200 : vector<16xf32> to vector<16xf32>
      %get3A_202 = arith.index_cast %mul3A_199 : i32 to index
      %get3A_203 = tpu.vector_load %arg12[%get3A_202] {strides = array<i32>} : memref<4096xf32, #tpu.memory_space<vmem>>, vector<16xf32>,
      %get3A_204 = vector.shape_cast %get3A_203 : vector<16xf32> to vector<16xf32>
      %mul3A_205 = arith.mulf %get3A_201, %get3A_201 : vector<16xf32>
      %add3A_206 = arith.addf %get3A_204, %mul3A_205 : vector<16xf32>
      %swap3A_207 = arith.index_cast %mul3A_199 : i32 to index
      %swap3A_208 = tpu.vector_load %arg12[%swap3A_207] {strides = array<i32>} : memref<4096xf32, #tpu.memory_space<vmem>>, vector<16xf32>,
      %swap3A_209 = vector.shape_cast %swap3A_208 : vector<16xf32> to vector<16xf32>
      %swap3A_210 = vector.shape_cast %add3A_206 : vector<16xf32> to vector<16xf32>
      tpu.vector_store %arg12[%swap3A_207], %swap3A_210 {strides = array<i32>} : memref<4096xf32, #tpu.memory_space<vmem>>, vector<16xf32>,
      %convert_element_type3A = arith.truncf %get3A_201 : vector<16xf32> to vector<16xbf16>
      %convert_element_type3A_211 = arith.extf %convert_element_type3A : vector<16xbf16> to vector<16xf32>
      %swap3A_212 = arith.index_cast %mul3A_199 : i32 to index
      %swap3A_213 = tpu.vector_load %arg10[%swap3A_212] {strides = array<i32>} : memref<4096xf32, #tpu.memory_space<vmem>>, vector<16xf32>,
      %swap3A_214 = vector.shape_cast %swap3A_213 : vector<16xf32> to vector<16xf32>
      %swap3A_215 = vector.shape_cast %convert_element_type3A_211 : vector<16xf32> to vector<16xf32>
      tpu.vector_store %arg10[%swap3A_212], %swap3A_215 {strides = array<i32>} : memref<4096xf32, #tpu.memory_space<vmem>>, vector<16xf32>,
      %scan3A_216 = arith.constant 0 : i32
      scf.yield %scan3A_216 : i32
    }
    %scan3A_98 = arith.constant 256 : i32
    %scan3A_99 = arith.constant 0 : i32
    %scan3A_100 = arith.constant 0 : i32
    %scan3A_101 = arith.constant 256 : i32
    %scan3A_102 = arith.addi %scan3A_100, %scan3A_101 : i32
    %scan3A_103 = arith.constant 1 : i32
    %scan3A_104 = scf.for %scan3A_196 = %scan3A_100 to %scan3A_102 step %scan3A_103 iter_args(%scan3A_197 = %scan3A_99) -> (i32)  : i32 {
      %mul3A_198 = arith.constant 16 : i32
      %mul3A_199 = arith.muli %scan3A_196, %mul3A_198 : i32
      %get3A = arith.index_cast %mul3A_199 : i32 to index
      %get3A_200 = tpu.vector_load %arg11[%get3A] {strides = array<i32>} : memref<4096xf32, #tpu.memory_space<vmem>>, vector<16xf32>,
      %get3A_201 = vector.shape_cast %get3A_200 : vector<16xf32> to vector<16xf32>
      %get3A_202 = arith.index_cast %mul3A_199 : i32 to index
      %get3A_203 = tpu.vector_load %arg12[%get3A_202] {strides = array<i32>} : memref<4096xf32, #tpu.memory_space<vmem>>, vector<16xf32>,
      %get3A_204 = vector.shape_cast %get3A_203 : vector<16xf32> to vector<16xf32>
      %mul3A_205 = arith.mulf %get3A_201, %get3A_201 : vector<16xf32>
      %add3A_206 = arith.addf %get3A_204, %mul3A_205 : vector<16xf32>
      %swap3A_207 = arith.index_cast %mul3A_199 : i32 to index
      %swap3A_208 = tpu.vector_load %arg12[%swap3A_207] {strides = array<i32>} : memref<4096xf32, #tpu.memory_space<vmem>>, vector<16xf32>,
      %swap3A_209 = vector.shape_cast %swap3A_208 : vector<16xf32> to vector<16xf32>
      %swap3A_210 = vector.shape_cast %add3A_206 : vector<16xf32> to vector<16xf32>
      tpu.vector_store %arg12[%swap3A_207], %swap3A_210 {strides = array<i32>} : memref<4096xf32, #tpu.memory_space<vmem>>, vector<16xf32>,
      %convert_element_type3A = arith.truncf %get3A_201 : vector<16xf32> to vector<16xbf16>
      %convert_element_type3A_211 = arith.extf %convert_element_type3A : vector<16xbf16> to vector<16xf32>
      %swap3A_212 = arith.index_cast %mul3A_199 : i32 to index
      %swap3A_213 = tpu.vector_load %arg11[%swap3A_212] {strides = array<i32>} : memref<4096xf32, #tpu.memory_space<vmem>>, vector<16xf32>,
      %swap3A_214 = vector.shape_cast %swap3A_213 : vector<16xf32> to vector<16xf32>
      %swap3A_215 = vector.shape_cast %convert_element_type3A_211 : vector<16xf32> to vector<16xf32>
      tpu.vector_store %arg11[%swap3A_212], %swap3A_215 {strides = array<i32>} : memref<4096xf32, #tpu.memory_space<vmem>>, vector<16xf32>,
      %scan3A_216 = arith.constant 0 : i32
      scf.yield %scan3A_216 : i32
    }
    %scan3A_105 = arith.constant 256 : i32
    %scan3A_106 = arith.constant 0 : i32
    %scan3A_107 = arith.constant 8 : i32
    %scan3A_108 = arith.addi %scan3A_106, %scan3A_107 : i32
    %scan3A_109 = arith.constant 1 : i32
    %scan3A_110 = scf.for %scan3A_196 = %scan3A_106 to %scan3A_108 step %scan3A_109 iter_args(%scan3A_197 = %broadcast_in_dim3A_31) -> (vector<16xf32>)  : i32 {
      %mul3A_198 = arith.constant 16 : i32
      %mul3A_199 = arith.muli %scan3A_196, %mul3A_198 : i32
      %get3A = arith.index_cast %mul3A_199 : i32 to index
      %get3A_200 = tpu.vector_load %arg5[%get3A] {strides = array<i32>} : memref<128xf32, #tpu.memory_space<vmem>>, vector<16xf32>,
      %get3A_201 = vector.shape_cast %get3A_200 : vector<16xf32> to vector<16xf32>
      %get3A_202 = arith.index_cast %mul3A_199 : i32 to index
      %get3A_203 = tpu.vector_load %arg6[%get3A_202] {strides = array<i32>} : memref<128xf32, #tpu.memory_space<vmem>>, vector<16xf32>,
      %get3A_204 = vector.shape_cast %get3A_203 : vector<16xf32> to vector<16xf32>
      %get3A_205 = arith.index_cast %mul3A_199 : i32 to index
      %get3A_206 = tpu.vector_load %arg7[%get3A_205] {strides = array<i32>} : memref<128xf32, #tpu.memory_space<vmem>>, vector<16xf32>,
      %get3A_207 = vector.shape_cast %get3A_206 : vector<16xf32> to vector<16xf32>
      %get3A_208 = arith.index_cast %mul3A_199 : i32 to index
      %get3A_209 = tpu.vector_load %arg8[%get3A_208] {strides = array<i32>} : memref<128xf32, #tpu.memory_space<vmem>>, vector<16xf32>,
      %get3A_210 = vector.shape_cast %get3A_209 : vector<16xf32> to vector<16xf32>
      %broadcast_in_dim3A_211 = arith.constant 0x7F800000 : f32
      %broadcast_in_dim3A_212 = vector.broadcast %broadcast_in_dim3A_211 : f32 to vector<16xf32>
      %scan3A_213 = arith.constant 0 : i32
      %scan3A_214 = arith.constant 256 : i32
      %scan3A_215 = arith.addi %scan3A_213, %scan3A_214 : i32
      %scan3A_216 = arith.constant 1 : i32
      %scan3A_217 = scf.for %scan3A_225 = %scan3A_213 to %scan3A_215 step %scan3A_216 iter_args(%scan3A_226 = %broadcast_in_dim3A_212) -> (vector<16xf32>)  : i32 {
        %mul3A_227 = arith.constant 16 : i32
        %mul3A_228 = arith.muli %scan3A_225, %mul3A_227 : i32
        %get3A_229 = arith.index_cast %mul3A_228 : i32 to index
        %get3A_230 = tpu.vector_load %arg9[%get3A_229] {strides = array<i32>} : memref<4096xf32, #tpu.memory_space<vmem>>, vector<16xf32>,
        %get3A_231 = vector.shape_cast %get3A_230 : vector<16xf32> to vector<16xf32>
        %get3A_232 = arith.index_cast %mul3A_228 : i32 to index
        %get3A_233 = tpu.vector_load %arg10[%get3A_232] {strides = array<i32>} : memref<4096xf32, #tpu.memory_space<vmem>>, vector<16xf32>,
        %get3A_234 = vector.shape_cast %get3A_233 : vector<16xf32> to vector<16xf32>
        %get3A_235 = arith.index_cast %mul3A_228 : i32 to index
        %get3A_236 = tpu.vector_load %arg11[%get3A_235] {strides = array<i32>} : memref<4096xf32, #tpu.memory_space<vmem>>, vector<16xf32>,
        %get3A_237 = vector.shape_cast %get3A_236 : vector<16xf32> to vector<16xf32>
        %get3A_238 = arith.index_cast %mul3A_228 : i32 to index
        %get3A_239 = tpu.vector_load %arg12[%get3A_238] {strides = array<i32>} : memref<4096xf32, #tpu.memory_space<vmem>>, vector<16xf32>,
        %get3A_240 = vector.shape_cast %get3A_239 : vector<16xf32> to vector<16xf32>
        %slice3A = vector.extract_strided_slice %get3A_231 {offsets = [0], sizes = [1], strides = [1]} : vector<16xf32> to vector<1xf32>
        %squeeze3A = vector.extract %slice3A[0] : f32 from vector<1xf32>
        %mul3A_241 = vector.broadcast %squeeze3A : f32 to vector<16xf32>
        %mul3A_242 = arith.mulf %get3A_201, %mul3A_241 : vector<16xf32>
        %slice3A_243 = vector.extract_strided_slice %get3A_234 {offsets = [0], sizes = [1], strides = [1]} : vector<16xf32> to vector<1xf32>
        %squeeze3A_244 = vector.extract %slice3A_243[0] : f32 from vector<1xf32>
        %mul3A_245 = vector.broadcast %squeeze3A_244 : f32 to vector<16xf32>
        %mul3A_246 = arith.mulf %get3A_204, %mul3A_245 : vector<16xf32>
        %add3A_247 = arith.addf %mul3A_242, %mul3A_246 : vector<16xf32>
        %slice3A_248 = vector.extract_strided_slice %get3A_237 {offsets = [0], sizes = [1], strides = [1]} : vector<16xf32> to vector<1xf32>
        %squeeze3A_249 = vector.extract %slice3A_248[0] : f32 from vector<1xf32>
        %mul3A_250 = vector.broadcast %squeeze3A_249 : f32 to vector<16xf32>
        %mul3A_251 = arith.mulf %get3A_207, %mul3A_250 : vector<16xf32>
        %add3A_252 = arith.addf %add3A_247, %mul3A_251 : vector<16xf32>
        %slice3A_253 = vector.extract_strided_slice %get3A_240 {offsets = [0], sizes = [1], strides = [1]} : vector<16xf32> to vector<1xf32>
        %squeeze3A_254 = vector.extract %slice3A_253[0] : f32 from vector<1xf32>
        %add3A_255 = vector.broadcast %squeeze3A_254 : f32 to vector<16xf32>
        %add3A_256 = arith.addf %get3A_210, %add3A_255 : vector<16xf32>
        %add3A_257 = arith.addf %add3A_256, %add3A_252 : vector<16xf32>
        %slice3A_258 = vector.extract_strided_slice %get3A_231 {offsets = [1], sizes = [1], strides = [1]} : vector<16xf32> to vector<1xf32>
        %squeeze3A_259 = vector.extract %slice3A_258[0] : f32 from vector<1xf32>
        %mul3A_260 = vector.broadcast %squeeze3A_259 : f32 to vector<16xf32>
        %mul3A_261 = arith.mulf %get3A_201, %mul3A_260 : vector<16xf32>
        %slice3A_262 = vector.extract_strided_slice %get3A_234 {offsets = [1], sizes = [1], strides = [1]} : vector<16xf32> to vector<1xf32>
        %squeeze3A_263 = vector.extract %slice3A_262[0] : f32 from vector<1xf32>
        %mul3A_264 = vector.broadcast %squeeze3A_263 : f32 to vector<16xf32>
        %mul3A_265 = arith.mulf %get3A_204, %mul3A_264 : vector<16xf32>
        %add3A_266 = arith.addf %mul3A_261, %mul3A_265 : vector<16xf32>
        %slice3A_267 = vector.extract_strided_slice %get3A_237 {offsets = [1], sizes = [1], strides = [1]} : vector<16xf32> to vector<1xf32>
        %squeeze3A_268 = vector.extract %slice3A_267[0] : f32 from vector<1xf32>
        %mul3A_269 = vector.broadcast %squeeze3A_268 : f32 to vector<16xf32>
        %mul3A_270 = arith.mulf %get3A_207, %mul3A_269 : vector<16xf32>
        %add3A_271 = arith.addf %add3A_266, %mul3A_270 : vector<16xf32>
        %slice3A_272 = vector.extract_strided_slice %get3A_240 {offsets = [1], sizes = [1], strides = [1]} : vector<16xf32> to vector<1xf32>
        %squeeze3A_273 = vector.extract %slice3A_272[0] : f32 from vector<1xf32>
        %add3A_274 = vector.broadcast %squeeze3A_273 : f32 to vector<16xf32>
        %add3A_275 = arith.addf %get3A_210, %add3A_274 : vector<16xf32>
        %add3A_276 = arith.addf %add3A_275, %add3A_271 : vector<16xf32>
        %slice3A_277 = vector.extract_strided_slice %get3A_231 {offsets = [2], sizes = [1], strides = [1]} : vector<16xf32> to vector<1xf32>
        %squeeze3A_278 = vector.extract %slice3A_277[0] : f32 from vector<1xf32>
        %mul3A_279 = vector.broadcast %squeeze3A_278 : f32 to vector<16xf32>
        %mul3A_280 = arith.mulf %get3A_201, %mul3A_279 : vector<16xf32>
        %slice3A_281 = vector.extract_strided_slice %get3A_234 {offsets = [2], sizes = [1], strides = [1]} : vector<16xf32> to vector<1xf32>
        %squeeze3A_282 = vector.extract %slice3A_281[0] : f32 from vector<1xf32>
        %mul3A_283 = vector.broadcast %squeeze3A_282 : f32 to vector<16xf32>
        %mul3A_284 = arith.mulf %get3A_204, %mul3A_283 : vector<16xf32>
        %add3A_285 = arith.addf %mul3A_280, %mul3A_284 : vector<16xf32>
        %slice3A_286 = vector.extract_strided_slice %get3A_237 {offsets = [2], sizes = [1], strides = [1]} : vector<16xf32> to vector<1xf32>
        %squeeze3A_287 = vector.extract %slice3A_286[0] : f32 from vector<1xf32>
        %mul3A_288 = vector.broadcast %squeeze3A_287 : f32 to vector<16xf32>
        %mul3A_289 = arith.mulf %get3A_207, %mul3A_288 : vector<16xf32>
        %add3A_290 = arith.addf %add3A_285, %mul3A_289 : vector<16xf32>
        %slice3A_291 = vector.extract_strided_slice %get3A_240 {offsets = [2], sizes = [1], strides = [1]} : vector<16xf32> to vector<1xf32>
        %squeeze3A_292 = vector.extract %slice3A_291[0] : f32 from vector<1xf32>
        %add3A_293 = vector.broadcast %squeeze3A_292 : f32 to vector<16xf32>
        %add3A_294 = arith.addf %get3A_210, %add3A_293 : vector<16xf32>
        %add3A_295 = arith.addf %add3A_294, %add3A_290 : vector<16xf32>
        %slice3A_296 = vector.extract_strided_slice %get3A_231 {offsets = [3], sizes = [1], strides = [1]} : vector<16xf32> to vector<1xf32>
        %squeeze3A_297 = vector.extract %slice3A_296[0] : f32 from vector<1xf32>
        %mul3A_298 = vector.broadcast %squeeze3A_297 : f32 to vector<16xf32>
        %mul3A_299 = arith.mulf %get3A_201, %mul3A_298 : vector<16xf32>
        %slice3A_300 = vector.extract_strided_slice %get3A_234 {offsets = [3], sizes = [1], strides = [1]} : vector<16xf32> to vector<1xf32>
        %squeeze3A_301 = vector.extract %slice3A_300[0] : f32 from vector<1xf32>
        %mul3A_302 = vector.broadcast %squeeze3A_301 : f32 to vector<16xf32>
        %mul3A_303 = arith.mulf %get3A_204, %mul3A_302 : vector<16xf32>
        %add3A_304 = arith.addf %mul3A_299, %mul3A_303 : vector<16xf32>
        %slice3A_305 = vector.extract_strided_slice %get3A_237 {offsets = [3], sizes = [1], strides = [1]} : vector<16xf32> to vector<1xf32>
        %squeeze3A_306 = vector.extract %slice3A_305[0] : f32 from vector<1xf32>
        %mul3A_307 = vector.broadcast %squeeze3A_306 : f32 to vector<16xf32>
        %mul3A_308 = arith.mulf %get3A_207, %mul3A_307 : vector<16xf32>
        %add3A_309 = arith.addf %add3A_304, %mul3A_308 : vector<16xf32>
        %slice3A_310 = vector.extract_strided_slice %get3A_240 {offsets = [3], sizes = [1], strides = [1]} : vector<16xf32> to vector<1xf32>
        %squeeze3A_311 = vector.extract %slice3A_310[0] : f32 from vector<1xf32>
        %add3A_312 = vector.broadcast %squeeze3A_311 : f32 to vector<16xf32>
        %add3A_313 = arith.addf %get3A_210, %add3A_312 : vector<16xf32>
        %add3A_314 = arith.addf %add3A_313, %add3A_309 : vector<16xf32>
        %slice3A_315 = vector.extract_strided_slice %get3A_231 {offsets = [4], sizes = [1], strides = [1]} : vector<16xf32> to vector<1xf32>
        %squeeze3A_316 = vector.extract %slice3A_315[0] : f32 from vector<1xf32>
        %mul3A_317 = vector.broadcast %squeeze3A_316 : f32 to vector<16xf32>
        %mul3A_318 = arith.mulf %get3A_201, %mul3A_317 : vector<16xf32>
        %slice3A_319 = vector.extract_strided_slice %get3A_234 {offsets = [4], sizes = [1], strides = [1]} : vector<16xf32> to vector<1xf32>
        %squeeze3A_320 = vector.extract %slice3A_319[0] : f32 from vector<1xf32>
        %mul3A_321 = vector.broadcast %squeeze3A_320 : f32 to vector<16xf32>
        %mul3A_322 = arith.mulf %get3A_204, %mul3A_321 : vector<16xf32>
        %add3A_323 = arith.addf %mul3A_318, %mul3A_322 : vector<16xf32>
        %slice3A_324 = vector.extract_strided_slice %get3A_237 {offsets = [4], sizes = [1], strides = [1]} : vector<16xf32> to vector<1xf32>
        %squeeze3A_325 = vector.extract %slice3A_324[0] : f32 from vector<1xf32>
        %mul3A_326 = vector.broadcast %squeeze3A_325 : f32 to vector<16xf32>
        %mul3A_327 = arith.mulf %get3A_207, %mul3A_326 : vector<16xf32>
        %add3A_328 = arith.addf %add3A_323, %mul3A_327 : vector<16xf32>
        %slice3A_329 = vector.extract_strided_slice %get3A_240 {offsets = [4], sizes = [1], strides = [1]} : vector<16xf32> to vector<1xf32>
        %squeeze3A_330 = vector.extract %slice3A_329[0] : f32 from vector<1xf32>
        %add3A_331 = vector.broadcast %squeeze3A_330 : f32 to vector<16xf32>
        %add3A_332 = arith.addf %get3A_210, %add3A_331 : vector<16xf32>
        %add3A_333 = arith.addf %add3A_332, %add3A_328 : vector<16xf32>
        %slice3A_334 = vector.extract_strided_slice %get3A_231 {offsets = [5], sizes = [1], strides = [1]} : vector<16xf32> to vector<1xf32>
        %squeeze3A_335 = vector.extract %slice3A_334[0] : f32 from vector<1xf32>
        %mul3A_336 = vector.broadcast %squeeze3A_335 : f32 to vector<16xf32>
        %mul3A_337 = arith.mulf %get3A_201, %mul3A_336 : vector<16xf32>
        %slice3A_338 = vector.extract_strided_slice %get3A_234 {offsets = [5], sizes = [1], strides = [1]} : vector<16xf32> to vector<1xf32>
        %squeeze3A_339 = vector.extract %slice3A_338[0] : f32 from vector<1xf32>
        %mul3A_340 = vector.broadcast %squeeze3A_339 : f32 to vector<16xf32>
        %mul3A_341 = arith.mulf %get3A_204, %mul3A_340 : vector<16xf32>
        %add3A_342 = arith.addf %mul3A_337, %mul3A_341 : vector<16xf32>
        %slice3A_343 = vector.extract_strided_slice %get3A_237 {offsets = [5], sizes = [1], strides = [1]} : vector<16xf32> to vector<1xf32>
        %squeeze3A_344 = vector.extract %slice3A_343[0] : f32 from vector<1xf32>
        %mul3A_345 = vector.broadcast %squeeze3A_344 : f32 to vector<16xf32>
        %mul3A_346 = arith.mulf %get3A_207, %mul3A_345 : vector<16xf32>
        %add3A_347 = arith.addf %add3A_342, %mul3A_346 : vector<16xf32>
        %slice3A_348 = vector.extract_strided_slice %get3A_240 {offsets = [5], sizes = [1], strides = [1]} : vector<16xf32> to vector<1xf32>
        %squeeze3A_349 = vector.extract %slice3A_348[0] : f32 from vector<1xf32>
        %add3A_350 = vector.broadcast %squeeze3A_349 : f32 to vector<16xf32>
        %add3A_351 = arith.addf %get3A_210, %add3A_350 : vector<16xf32>
        %add3A_352 = arith.addf %add3A_351, %add3A_347 : vector<16xf32>
        %slice3A_353 = vector.extract_strided_slice %get3A_231 {offsets = [6], sizes = [1], strides = [1]} : vector<16xf32> to vector<1xf32>
        %squeeze3A_354 = vector.extract %slice3A_353[0] : f32 from vector<1xf32>
        %mul3A_355 = vector.broadcast %squeeze3A_354 : f32 to vector<16xf32>
        %mul3A_356 = arith.mulf %get3A_201, %mul3A_355 : vector<16xf32>
        %slice3A_357 = vector.extract_strided_slice %get3A_234 {offsets = [6], sizes = [1], strides = [1]} : vector<16xf32> to vector<1xf32>
        %squeeze3A_358 = vector.extract %slice3A_357[0] : f32 from vector<1xf32>
        %mul3A_359 = vector.broadcast %squeeze3A_358 : f32 to vector<16xf32>
        %mul3A_360 = arith.mulf %get3A_204, %mul3A_359 : vector<16xf32>
        %add3A_361 = arith.addf %mul3A_356, %mul3A_360 : vector<16xf32>
        %slice3A_362 = vector.extract_strided_slice %get3A_237 {offsets = [6], sizes = [1], strides = [1]} : vector<16xf32> to vector<1xf32>
        %squeeze3A_363 = vector.extract %slice3A_362[0] : f32 from vector<1xf32>
        %mul3A_364 = vector.broadcast %squeeze3A_363 : f32 to vector<16xf32>
        %mul3A_365 = arith.mulf %get3A_207, %mul3A_364 : vector<16xf32>
        %add3A_366 = arith.addf %add3A_361, %mul3A_365 : vector<16xf32>
        %slice3A_367 = vector.extract_strided_slice %get3A_240 {offsets = [6], sizes = [1], strides = [1]} : vector<16xf32> to vector<1xf32>
        %squeeze3A_368 = vector.extract %slice3A_367[0] : f32 from vector<1xf32>
        %add3A_369 = vector.broadcast %squeeze3A_368 : f32 to vector<16xf32>
        %add3A_370 = arith.addf %get3A_210, %add3A_369 : vector<16xf32>
        %add3A_371 = arith.addf %add3A_370, %add3A_366 : vector<16xf32>
        %slice3A_372 = vector.extract_strided_slice %get3A_231 {offsets = [7], sizes = [1], strides = [1]} : vector<16xf32> to vector<1xf32>
        %squeeze3A_373 = vector.extract %slice3A_372[0] : f32 from vector<1xf32>
        %mul3A_374 = vector.broadcast %squeeze3A_373 : f32 to vector<16xf32>
        %mul3A_375 = arith.mulf %get3A_201, %mul3A_374 : vector<16xf32>
        %slice3A_376 = vector.extract_strided_slice %get3A_234 {offsets = [7], sizes = [1], strides = [1]} : vector<16xf32> to vector<1xf32>
        %squeeze3A_377 = vector.extract %slice3A_376[0] : f32 from vector<1xf32>
        %mul3A_378 = vector.broadcast %squeeze3A_377 : f32 to vector<16xf32>
        %mul3A_379 = arith.mulf %get3A_204, %mul3A_378 : vector<16xf32>
        %add3A_380 = arith.addf %mul3A_375, %mul3A_379 : vector<16xf32>
        %slice3A_381 = vector.extract_strided_slice %get3A_237 {offsets = [7], sizes = [1], strides = [1]} : vector<16xf32> to vector<1xf32>
        %squeeze3A_382 = vector.extract %slice3A_381[0] : f32 from vector<1xf32>
        %mul3A_383 = vector.broadcast %squeeze3A_382 : f32 to vector<16xf32>
        %mul3A_384 = arith.mulf %get3A_207, %mul3A_383 : vector<16xf32>
        %add3A_385 = arith.addf %add3A_380, %mul3A_384 : vector<16xf32>
        %slice3A_386 = vector.extract_strided_slice %get3A_240 {offsets = [7], sizes = [1], strides = [1]} : vector<16xf32> to vector<1xf32>
        %squeeze3A_387 = vector.extract %slice3A_386[0] : f32 from vector<1xf32>
        %add3A_388 = vector.broadcast %squeeze3A_387 : f32 to vector<16xf32>
        %add3A_389 = arith.addf %get3A_210, %add3A_388 : vector<16xf32>
        %add3A_390 = arith.addf %add3A_389, %add3A_385 : vector<16xf32>
        %slice3A_391 = vector.extract_strided_slice %get3A_231 {offsets = [8], sizes = [1], strides = [1]} : vector<16xf32> to vector<1xf32>
        %squeeze3A_392 = vector.extract %slice3A_391[0] : f32 from vector<1xf32>
        %mul3A_393 = vector.broadcast %squeeze3A_392 : f32 to vector<16xf32>
        %mul3A_394 = arith.mulf %get3A_201, %mul3A_393 : vector<16xf32>
        %slice3A_395 = vector.extract_strided_slice %get3A_234 {offsets = [8], sizes = [1], strides = [1]} : vector<16xf32> to vector<1xf32>
        %squeeze3A_396 = vector.extract %slice3A_395[0] : f32 from vector<1xf32>
        %mul3A_397 = vector.broadcast %squeeze3A_396 : f32 to vector<16xf32>
        %mul3A_398 = arith.mulf %get3A_204, %mul3A_397 : vector<16xf32>
        %add3A_399 = arith.addf %mul3A_394, %mul3A_398 : vector<16xf32>
        %slice3A_400 = vector.extract_strided_slice %get3A_237 {offsets = [8], sizes = [1], strides = [1]} : vector<16xf32> to vector<1xf32>
        %squeeze3A_401 = vector.extract %slice3A_400[0] : f32 from vector<1xf32>
        %mul3A_402 = vector.broadcast %squeeze3A_401 : f32 to vector<16xf32>
        %mul3A_403 = arith.mulf %get3A_207, %mul3A_402 : vector<16xf32>
        %add3A_404 = arith.addf %add3A_399, %mul3A_403 : vector<16xf32>
        %slice3A_405 = vector.extract_strided_slice %get3A_240 {offsets = [8], sizes = [1], strides = [1]} : vector<16xf32> to vector<1xf32>
        %squeeze3A_406 = vector.extract %slice3A_405[0] : f32 from vector<1xf32>
        %add3A_407 = vector.broadcast %squeeze3A_406 : f32 to vector<16xf32>
        %add3A_408 = arith.addf %get3A_210, %add3A_407 : vector<16xf32>
        %add3A_409 = arith.addf %add3A_408, %add3A_404 : vector<16xf32>
        %slice3A_410 = vector.extract_strided_slice %get3A_231 {offsets = [9], sizes = [1], strides = [1]} : vector<16xf32> to vector<1xf32>
        %squeeze3A_411 = vector.extract %slice3A_410[0] : f32 from vector<1xf32>
        %mul3A_412 = vector.broadcast %squeeze3A_411 : f32 to vector<16xf32>
        %mul3A_413 = arith.mulf %get3A_201, %mul3A_412 : vector<16xf32>
        %slice3A_414 = vector.extract_strided_slice %get3A_234 {offsets = [9], sizes = [1], strides = [1]} : vector<16xf32> to vector<1xf32>
        %squeeze3A_415 = vector.extract %slice3A_414[0] : f32 from vector<1xf32>
        %mul3A_416 = vector.broadcast %squeeze3A_415 : f32 to vector<16xf32>
        %mul3A_417 = arith.mulf %get3A_204, %mul3A_416 : vector<16xf32>
        %add3A_418 = arith.addf %mul3A_413, %mul3A_417 : vector<16xf32>
        %slice3A_419 = vector.extract_strided_slice %get3A_237 {offsets = [9], sizes = [1], strides = [1]} : vector<16xf32> to vector<1xf32>
        %squeeze3A_420 = vector.extract %slice3A_419[0] : f32 from vector<1xf32>
        %mul3A_421 = vector.broadcast %squeeze3A_420 : f32 to vector<16xf32>
        %mul3A_422 = arith.mulf %get3A_207, %mul3A_421 : vector<16xf32>
        %add3A_423 = arith.addf %add3A_418, %mul3A_422 : vector<16xf32>
        %slice3A_424 = vector.extract_strided_slice %get3A_240 {offsets = [9], sizes = [1], strides = [1]} : vector<16xf32> to vector<1xf32>
        %squeeze3A_425 = vector.extract %slice3A_424[0] : f32 from vector<1xf32>
        %add3A_426 = vector.broadcast %squeeze3A_425 : f32 to vector<16xf32>
        %add3A_427 = arith.addf %get3A_210, %add3A_426 : vector<16xf32>
        %add3A_428 = arith.addf %add3A_427, %add3A_423 : vector<16xf32>
        %slice3A_429 = vector.extract_strided_slice %get3A_231 {offsets = [10], sizes = [1], strides = [1]} : vector<16xf32> to vector<1xf32>
        %squeeze3A_430 = vector.extract %slice3A_429[0] : f32 from vector<1xf32>
        %mul3A_431 = vector.broadcast %squeeze3A_430 : f32 to vector<16xf32>
        %mul3A_432 = arith.mulf %get3A_201, %mul3A_431 : vector<16xf32>
        %slice3A_433 = vector.extract_strided_slice %get3A_234 {offsets = [10], sizes = [1], strides = [1]} : vector<16xf32> to vector<1xf32>
        %squeeze3A_434 = vector.extract %slice3A_433[0] : f32 from vector<1xf32>
        %mul3A_435 = vector.broadcast %squeeze3A_434 : f32 to vector<16xf32>
        %mul3A_436 = arith.mulf %get3A_204, %mul3A_435 : vector<16xf32>
        %add3A_437 = arith.addf %mul3A_432, %mul3A_436 : vector<16xf32>
        %slice3A_438 = vector.extract_strided_slice %get3A_237 {offsets = [10], sizes = [1], strides = [1]} : vector<16xf32> to vector<1xf32>
        %squeeze3A_439 = vector.extract %slice3A_438[0] : f32 from vector<1xf32>
        %mul3A_440 = vector.broadcast %squeeze3A_439 : f32 to vector<16xf32>
        %mul3A_441 = arith.mulf %get3A_207, %mul3A_440 : vector<16xf32>
        %add3A_442 = arith.addf %add3A_437, %mul3A_441 : vector<16xf32>
        %slice3A_443 = vector.extract_strided_slice %get3A_240 {offsets = [10], sizes = [1], strides = [1]} : vector<16xf32> to vector<1xf32>
        %squeeze3A_444 = vector.extract %slice3A_443[0] : f32 from vector<1xf32>
        %add3A_445 = vector.broadcast %squeeze3A_444 : f32 to vector<16xf32>
        %add3A_446 = arith.addf %get3A_210, %add3A_445 : vector<16xf32>
        %add3A_447 = arith.addf %add3A_446, %add3A_442 : vector<16xf32>
        %slice3A_448 = vector.extract_strided_slice %get3A_231 {offsets = [11], sizes = [1], strides = [1]} : vector<16xf32> to vector<1xf32>
        %squeeze3A_449 = vector.extract %slice3A_448[0] : f32 from vector<1xf32>
        %mul3A_450 = vector.broadcast %squeeze3A_449 : f32 to vector<16xf32>
        %mul3A_451 = arith.mulf %get3A_201, %mul3A_450 : vector<16xf32>
        %slice3A_452 = vector.extract_strided_slice %get3A_234 {offsets = [11], sizes = [1], strides = [1]} : vector<16xf32> to vector<1xf32>
        %squeeze3A_453 = vector.extract %slice3A_452[0] : f32 from vector<1xf32>
        %mul3A_454 = vector.broadcast %squeeze3A_453 : f32 to vector<16xf32>
        %mul3A_455 = arith.mulf %get3A_204, %mul3A_454 : vector<16xf32>
        %add3A_456 = arith.addf %mul3A_451, %mul3A_455 : vector<16xf32>
        %slice3A_457 = vector.extract_strided_slice %get3A_237 {offsets = [11], sizes = [1], strides = [1]} : vector<16xf32> to vector<1xf32>
        %squeeze3A_458 = vector.extract %slice3A_457[0] : f32 from vector<1xf32>
        %mul3A_459 = vector.broadcast %squeeze3A_458 : f32 to vector<16xf32>
        %mul3A_460 = arith.mulf %get3A_207, %mul3A_459 : vector<16xf32>
        %add3A_461 = arith.addf %add3A_456, %mul3A_460 : vector<16xf32>
        %slice3A_462 = vector.extract_strided_slice %get3A_240 {offsets = [11], sizes = [1], strides = [1]} : vector<16xf32> to vector<1xf32>
        %squeeze3A_463 = vector.extract %slice3A_462[0] : f32 from vector<1xf32>
        %add3A_464 = vector.broadcast %squeeze3A_463 : f32 to vector<16xf32>
        %add3A_465 = arith.addf %get3A_210, %add3A_464 : vector<16xf32>
        %add3A_466 = arith.addf %add3A_465, %add3A_461 : vector<16xf32>
        %slice3A_467 = vector.extract_strided_slice %get3A_231 {offsets = [12], sizes = [1], strides = [1]} : vector<16xf32> to vector<1xf32>
        %squeeze3A_468 = vector.extract %slice3A_467[0] : f32 from vector<1xf32>
        %mul3A_469 = vector.broadcast %squeeze3A_468 : f32 to vector<16xf32>
        %mul3A_470 = arith.mulf %get3A_201, %mul3A_469 : vector<16xf32>
        %slice3A_471 = vector.extract_strided_slice %get3A_234 {offsets = [12], sizes = [1], strides = [1]} : vector<16xf32> to vector<1xf32>
        %squeeze3A_472 = vector.extract %slice3A_471[0] : f32 from vector<1xf32>
        %mul3A_473 = vector.broadcast %squeeze3A_472 : f32 to vector<16xf32>
        %mul3A_474 = arith.mulf %get3A_204, %mul3A_473 : vector<16xf32>
        %add3A_475 = arith.addf %mul3A_470, %mul3A_474 : vector<16xf32>
        %slice3A_476 = vector.extract_strided_slice %get3A_237 {offsets = [12], sizes = [1], strides = [1]} : vector<16xf32> to vector<1xf32>
        %squeeze3A_477 = vector.extract %slice3A_476[0] : f32 from vector<1xf32>
        %mul3A_478 = vector.broadcast %squeeze3A_477 : f32 to vector<16xf32>
        %mul3A_479 = arith.mulf %get3A_207, %mul3A_478 : vector<16xf32>
        %add3A_480 = arith.addf %add3A_475, %mul3A_479 : vector<16xf32>
        %slice3A_481 = vector.extract_strided_slice %get3A_240 {offsets = [12], sizes = [1], strides = [1]} : vector<16xf32> to vector<1xf32>
        %squeeze3A_482 = vector.extract %slice3A_481[0] : f32 from vector<1xf32>
        %add3A_483 = vector.broadcast %squeeze3A_482 : f32 to vector<16xf32>
        %add3A_484 = arith.addf %get3A_210, %add3A_483 : vector<16xf32>
        %add3A_485 = arith.addf %add3A_484, %add3A_480 : vector<16xf32>
        %slice3A_486 = vector.extract_strided_slice %get3A_231 {offsets = [13], sizes = [1], strides = [1]} : vector<16xf32> to vector<1xf32>
        %squeeze3A_487 = vector.extract %slice3A_486[0] : f32 from vector<1xf32>
        %mul3A_488 = vector.broadcast %squeeze3A_487 : f32 to vector<16xf32>
        %mul3A_489 = arith.mulf %get3A_201, %mul3A_488 : vector<16xf32>
        %slice3A_490 = vector.extract_strided_slice %get3A_234 {offsets = [13], sizes = [1], strides = [1]} : vector<16xf32> to vector<1xf32>
        %squeeze3A_491 = vector.extract %slice3A_490[0] : f32 from vector<1xf32>
        %mul3A_492 = vector.broadcast %squeeze3A_491 : f32 to vector<16xf32>
        %mul3A_493 = arith.mulf %get3A_204, %mul3A_492 : vector<16xf32>
        %add3A_494 = arith.addf %mul3A_489, %mul3A_493 : vector<16xf32>
        %slice3A_495 = vector.extract_strided_slice %get3A_237 {offsets = [13], sizes = [1], strides = [1]} : vector<16xf32> to vector<1xf32>
        %squeeze3A_496 = vector.extract %slice3A_495[0] : f32 from vector<1xf32>
        %mul3A_497 = vector.broadcast %squeeze3A_496 : f32 to vector<16xf32>
        %mul3A_498 = arith.mulf %get3A_207, %mul3A_497 : vector<16xf32>
        %add3A_499 = arith.addf %add3A_494, %mul3A_498 : vector<16xf32>
        %slice3A_500 = vector.extract_strided_slice %get3A_240 {offsets = [13], sizes = [1], strides = [1]} : vector<16xf32> to vector<1xf32>
        %squeeze3A_501 = vector.extract %slice3A_500[0] : f32 from vector<1xf32>
        %add3A_502 = vector.broadcast %squeeze3A_501 : f32 to vector<16xf32>
        %add3A_503 = arith.addf %get3A_210, %add3A_502 : vector<16xf32>
        %add3A_504 = arith.addf %add3A_503, %add3A_499 : vector<16xf32>
        %slice3A_505 = vector.extract_strided_slice %get3A_231 {offsets = [14], sizes = [1], strides = [1]} : vector<16xf32> to vector<1xf32>
        %squeeze3A_506 = vector.extract %slice3A_505[0] : f32 from vector<1xf32>
        %mul3A_507 = vector.broadcast %squeeze3A_506 : f32 to vector<16xf32>
        %mul3A_508 = arith.mulf %get3A_201, %mul3A_507 : vector<16xf32>
        %slice3A_509 = vector.extract_strided_slice %get3A_234 {offsets = [14], sizes = [1], strides = [1]} : vector<16xf32> to vector<1xf32>
        %squeeze3A_510 = vector.extract %slice3A_509[0] : f32 from vector<1xf32>
        %mul3A_511 = vector.broadcast %squeeze3A_510 : f32 to vector<16xf32>
        %mul3A_512 = arith.mulf %get3A_204, %mul3A_511 : vector<16xf32>
        %add3A_513 = arith.addf %mul3A_508, %mul3A_512 : vector<16xf32>
        %slice3A_514 = vector.extract_strided_slice %get3A_237 {offsets = [14], sizes = [1], strides = [1]} : vector<16xf32> to vector<1xf32>
        %squeeze3A_515 = vector.extract %slice3A_514[0] : f32 from vector<1xf32>
        %mul3A_516 = vector.broadcast %squeeze3A_515 : f32 to vector<16xf32>
        %mul3A_517 = arith.mulf %get3A_207, %mul3A_516 : vector<16xf32>
        %add3A_518 = arith.addf %add3A_513, %mul3A_517 : vector<16xf32>
        %slice3A_519 = vector.extract_strided_slice %get3A_240 {offsets = [14], sizes = [1], strides = [1]} : vector<16xf32> to vector<1xf32>
        %squeeze3A_520 = vector.extract %slice3A_519[0] : f32 from vector<1xf32>
        %add3A_521 = vector.broadcast %squeeze3A_520 : f32 to vector<16xf32>
        %add3A_522 = arith.addf %get3A_210, %add3A_521 : vector<16xf32>
        %add3A_523 = arith.addf %add3A_522, %add3A_518 : vector<16xf32>
        %slice3A_524 = vector.extract_strided_slice %get3A_231 {offsets = [15], sizes = [1], strides = [1]} : vector<16xf32> to vector<1xf32>
        %squeeze3A_525 = vector.extract %slice3A_524[0] : f32 from vector<1xf32>
        %mul3A_526 = vector.broadcast %squeeze3A_525 : f32 to vector<16xf32>
        %mul3A_527 = arith.mulf %get3A_201, %mul3A_526 : vector<16xf32>
        %slice3A_528 = vector.extract_strided_slice %get3A_234 {offsets = [15], sizes = [1], strides = [1]} : vector<16xf32> to vector<1xf32>
        %squeeze3A_529 = vector.extract %slice3A_528[0] : f32 from vector<1xf32>
        %mul3A_530 = vector.broadcast %squeeze3A_529 : f32 to vector<16xf32>
        %mul3A_531 = arith.mulf %get3A_204, %mul3A_530 : vector<16xf32>
        %add3A_532 = arith.addf %mul3A_527, %mul3A_531 : vector<16xf32>
        %slice3A_533 = vector.extract_strided_slice %get3A_237 {offsets = [15], sizes = [1], strides = [1]} : vector<16xf32> to vector<1xf32>
        %squeeze3A_534 = vector.extract %slice3A_533[0] : f32 from vector<1xf32>
        %mul3A_535 = vector.broadcast %squeeze3A_534 : f32 to vector<16xf32>
        %mul3A_536 = arith.mulf %get3A_207, %mul3A_535 : vector<16xf32>
        %add3A_537 = arith.addf %add3A_532, %mul3A_536 : vector<16xf32>
        %slice3A_538 = vector.extract_strided_slice %get3A_240 {offsets = [15], sizes = [1], strides = [1]} : vector<16xf32> to vector<1xf32>
        %squeeze3A_539 = vector.extract %slice3A_538[0] : f32 from vector<1xf32>
        %add3A_540 = vector.broadcast %squeeze3A_539 : f32 to vector<16xf32>
        %add3A_541 = arith.addf %get3A_210, %add3A_540 : vector<16xf32>
        %add3A_542 = arith.addf %add3A_541, %add3A_537 : vector<16xf32>
        %min3A = arith.minimumf %add3A_257, %add3A_276 : vector<16xf32>
        %min3A_543 = arith.minimumf %add3A_295, %add3A_314 : vector<16xf32>
        %min3A_544 = arith.minimumf %add3A_333, %add3A_352 : vector<16xf32>
        %min3A_545 = arith.minimumf %add3A_371, %add3A_390 : vector<16xf32>
        %min3A_546 = arith.minimumf %add3A_409, %add3A_428 : vector<16xf32>
        %min3A_547 = arith.minimumf %add3A_447, %add3A_466 : vector<16xf32>
        %min3A_548 = arith.minimumf %add3A_485, %add3A_504 : vector<16xf32>
        %min3A_549 = arith.minimumf %add3A_523, %add3A_542 : vector<16xf32>
        %min3A_550 = arith.minimumf %min3A, %min3A_543 : vector<16xf32>
        %min3A_551 = arith.minimumf %min3A_544, %min3A_545 : vector<16xf32>
        %min3A_552 = arith.minimumf %min3A_546, %min3A_547 : vector<16xf32>
        %min3A_553 = arith.minimumf %min3A_548, %min3A_549 : vector<16xf32>
        %min3A_554 = arith.minimumf %min3A_550, %min3A_551 : vector<16xf32>
        %min3A_555 = arith.minimumf %min3A_552, %min3A_553 : vector<16xf32>
        %min3A_556 = arith.minimumf %min3A_554, %min3A_555 : vector<16xf32>
        %min3A_557 = arith.minimumf %scan3A_226, %min3A_556 : vector<16xf32>
        scf.yield %min3A_557 : vector<16xf32>
      }
      %scan3A_218 = arith.constant 256 : i32
      %max3A = arith.constant 0.000000e+00 : f32
      %max3A_219 = vector.broadcast %max3A : f32 to vector<16xf32>
      %max3A_220 = arith.maximumf %scan3A_217, %max3A_219 : vector<16xf32>
      %mul3A_221 = arith.constant 6.10351563E-5 : f32
      %mul3A_222 = vector.broadcast %mul3A_221 : f32 to vector<16xf32>
      %mul3A_223 = arith.mulf %max3A_220, %mul3A_222 : vector<16xf32>
      %add3A_224 = arith.addf %scan3A_197, %mul3A_223 : vector<16xf32>
      scf.yield %add3A_224 : vector<16xf32>
    }
    %scan3A_111 = arith.constant 8 : i32
    %mul3A_112 = arith.constant 3 : i32
    %mul3A_113 = arith.muli %select_n3A, %mul3A_112 : i32
    %mul3A_114 = arith.constant 4096 : i32
    %mul3A_115 = arith.muli %mul3A_113, %mul3A_114 : i32
    %mul3A_116 = arith.constant 128 : i32
    %mul3A_117 = arith.muli %select_n3A_30, %mul3A_116 : i32
    %add3A_118 = arith.addi %mul3A_115, %mul3A_117 : i32
    %mul3A_119 = arith.constant 3 : i32
    %mul3A_120 = arith.muli %select_n3A, %mul3A_119 : i32
    %mul3A_121 = arith.constant 4096 : i32
    %mul3A_122 = arith.muli %mul3A_120, %mul3A_121 : i32
    "tpu.region"() ({
      %run_scoped3A = tpu.sem_alloc : memref<!tpu.dma_semaphore, #tpu.memory_space<semaphore_mem>>
      %dma_start3A = tpu.memref_slice %arg3[%add3A_118] : memref<49152xf32, #tpu.memory_space<hbm>> -> memref<128xf32, #tpu.memory_space<hbm>>
      %dma_start3A_196 = tpu.memref_slice %arg3[%add3A_118] : memref<49152xf32, #tpu.memory_space<hbm>> -> memref<128xf32, #tpu.memory_space<hbm>>
      tpu.enqueue_dma source(%dma_start3A_196 : memref<128xf32, #tpu.memory_space<hbm>>) target(%arg5 : memref<128xf32, #tpu.memory_space<vmem>>) target_semaphore(%run_scoped3A : memref<!tpu.dma_semaphore, #tpu.memory_space<semaphore_mem>>)
      %dma_wait3A = tpu.memref_slice %arg3[%add3A_118] : memref<49152xf32, #tpu.memory_space<hbm>> -> memref<128xf32, #tpu.memory_space<hbm>>
      %dma_wait3A_197 = tpu.memref_slice %arg3[%add3A_118] : memref<49152xf32, #tpu.memory_space<hbm>> -> memref<128xf32, #tpu.memory_space<hbm>>
      tpu.wait_dma2 semaphore(%run_scoped3A : memref<!tpu.dma_semaphore, #tpu.memory_space<semaphore_mem>>) src(%dma_wait3A_197 : memref<128xf32, #tpu.memory_space<hbm>>) dst(%arg5 : memref<128xf32, #tpu.memory_space<vmem>>)
      tpu.yield
    }) : () -> ()
    %add3A_123 = arith.constant 4096 : i32
    %add3A_124 = arith.addi %add3A_118, %add3A_123 : i32
    "tpu.region"() ({
      %run_scoped3A = tpu.sem_alloc : memref<!tpu.dma_semaphore, #tpu.memory_space<semaphore_mem>>
      %dma_start3A = tpu.memref_slice %arg3[%add3A_124] : memref<49152xf32, #tpu.memory_space<hbm>> -> memref<128xf32, #tpu.memory_space<hbm>>
      %dma_start3A_196 = tpu.memref_slice %arg3[%add3A_124] : memref<49152xf32, #tpu.memory_space<hbm>> -> memref<128xf32, #tpu.memory_space<hbm>>
      tpu.enqueue_dma source(%dma_start3A_196 : memref<128xf32, #tpu.memory_space<hbm>>) target(%arg6 : memref<128xf32, #tpu.memory_space<vmem>>) target_semaphore(%run_scoped3A : memref<!tpu.dma_semaphore, #tpu.memory_space<semaphore_mem>>)
      %dma_wait3A = tpu.memref_slice %arg3[%add3A_124] : memref<49152xf32, #tpu.memory_space<hbm>> -> memref<128xf32, #tpu.memory_space<hbm>>
      %dma_wait3A_197 = tpu.memref_slice %arg3[%add3A_124] : memref<49152xf32, #tpu.memory_space<hbm>> -> memref<128xf32, #tpu.memory_space<hbm>>
      tpu.wait_dma2 semaphore(%run_scoped3A : memref<!tpu.dma_semaphore, #tpu.memory_space<semaphore_mem>>) src(%dma_wait3A_197 : memref<128xf32, #tpu.memory_space<hbm>>) dst(%arg6 : memref<128xf32, #tpu.memory_space<vmem>>)
      tpu.yield
    }) : () -> ()
    %add3A_125 = arith.constant 8192 : i32
    %add3A_126 = arith.addi %add3A_118, %add3A_125 : i32
    "tpu.region"() ({
      %run_scoped3A = tpu.sem_alloc : memref<!tpu.dma_semaphore, #tpu.memory_space<semaphore_mem>>
      %dma_start3A = tpu.memref_slice %arg3[%add3A_126] : memref<49152xf32, #tpu.memory_space<hbm>> -> memref<128xf32, #tpu.memory_space<hbm>>
      %dma_start3A_196 = tpu.memref_slice %arg3[%add3A_126] : memref<49152xf32, #tpu.memory_space<hbm>> -> memref<128xf32, #tpu.memory_space<hbm>>
      tpu.enqueue_dma source(%dma_start3A_196 : memref<128xf32, #tpu.memory_space<hbm>>) target(%arg7 : memref<128xf32, #tpu.memory_space<vmem>>) target_semaphore(%run_scoped3A : memref<!tpu.dma_semaphore, #tpu.memory_space<semaphore_mem>>)
      %dma_wait3A = tpu.memref_slice %arg3[%add3A_126] : memref<49152xf32, #tpu.memory_space<hbm>> -> memref<128xf32, #tpu.memory_space<hbm>>
      %dma_wait3A_197 = tpu.memref_slice %arg3[%add3A_126] : memref<49152xf32, #tpu.memory_space<hbm>> -> memref<128xf32, #tpu.memory_space<hbm>>
      tpu.wait_dma2 semaphore(%run_scoped3A : memref<!tpu.dma_semaphore, #tpu.memory_space<semaphore_mem>>) src(%dma_wait3A_197 : memref<128xf32, #tpu.memory_space<hbm>>) dst(%arg7 : memref<128xf32, #tpu.memory_space<vmem>>)
      tpu.yield
    }) : () -> ()
    "tpu.region"() ({
      %run_scoped3A = tpu.sem_alloc : memref<!tpu.dma_semaphore, #tpu.memory_space<semaphore_mem>>
      %dma_start3A = tpu.memref_slice %arg2[%mul3A_122] : memref<49152xf32, #tpu.memory_space<hbm>> -> memref<4096xf32, #tpu.memory_space<hbm>>
      %dma_start3A_196 = tpu.memref_slice %arg2[%mul3A_122] : memref<49152xf32, #tpu.memory_space<hbm>> -> memref<4096xf32, #tpu.memory_space<hbm>>
      tpu.enqueue_dma source(%dma_start3A_196 : memref<4096xf32, #tpu.memory_space<hbm>>) target(%arg9 : memref<4096xf32, #tpu.memory_space<vmem>>) target_semaphore(%run_scoped3A : memref<!tpu.dma_semaphore, #tpu.memory_space<semaphore_mem>>)
      %dma_wait3A = tpu.memref_slice %arg2[%mul3A_122] : memref<49152xf32, #tpu.memory_space<hbm>> -> memref<4096xf32, #tpu.memory_space<hbm>>
      %dma_wait3A_197 = tpu.memref_slice %arg2[%mul3A_122] : memref<49152xf32, #tpu.memory_space<hbm>> -> memref<4096xf32, #tpu.memory_space<hbm>>
      tpu.wait_dma2 semaphore(%run_scoped3A : memref<!tpu.dma_semaphore, #tpu.memory_space<semaphore_mem>>) src(%dma_wait3A_197 : memref<4096xf32, #tpu.memory_space<hbm>>) dst(%arg9 : memref<4096xf32, #tpu.memory_space<vmem>>)
      tpu.yield
    }) : () -> ()
    %add3A_127 = arith.constant 4096 : i32
    %add3A_128 = arith.addi %mul3A_122, %add3A_127 : i32
    "tpu.region"() ({
      %run_scoped3A = tpu.sem_alloc : memref<!tpu.dma_semaphore, #tpu.memory_space<semaphore_mem>>
      %dma_start3A = tpu.memref_slice %arg2[%add3A_128] : memref<49152xf32, #tpu.memory_space<hbm>> -> memref<4096xf32, #tpu.memory_space<hbm>>
      %dma_start3A_196 = tpu.memref_slice %arg2[%add3A_128] : memref<49152xf32, #tpu.memory_space<hbm>> -> memref<4096xf32, #tpu.memory_space<hbm>>
      tpu.enqueue_dma source(%dma_start3A_196 : memref<4096xf32, #tpu.memory_space<hbm>>) target(%arg10 : memref<4096xf32, #tpu.memory_space<vmem>>) target_semaphore(%run_scoped3A : memref<!tpu.dma_semaphore, #tpu.memory_space<semaphore_mem>>)
      %dma_wait3A = tpu.memref_slice %arg2[%add3A_128] : memref<49152xf32, #tpu.memory_space<hbm>> -> memref<4096xf32, #tpu.memory_space<hbm>>
      %dma_wait3A_197 = tpu.memref_slice %arg2[%add3A_128] : memref<49152xf32, #tpu.memory_space<hbm>> -> memref<4096xf32, #tpu.memory_space<hbm>>
      tpu.wait_dma2 semaphore(%run_scoped3A : memref<!tpu.dma_semaphore, #tpu.memory_space<semaphore_mem>>) src(%dma_wait3A_197 : memref<4096xf32, #tpu.memory_space<hbm>>) dst(%arg10 : memref<4096xf32, #tpu.memory_space<vmem>>)
      tpu.yield
    }) : () -> ()
    %add3A_129 = arith.constant 8192 : i32
    %add3A_130 = arith.addi %mul3A_122, %add3A_129 : i32
    "tpu.region"() ({
      %run_scoped3A = tpu.sem_alloc : memref<!tpu.dma_semaphore, #tpu.memory_space<semaphore_mem>>
      %dma_start3A = tpu.memref_slice %arg2[%add3A_130] : memref<49152xf32, #tpu.memory_space<hbm>> -> memref<4096xf32, #tpu.memory_space<hbm>>
      %dma_start3A_196 = tpu.memref_slice %arg2[%add3A_130] : memref<49152xf32, #tpu.memory_space<hbm>> -> memref<4096xf32, #tpu.memory_space<hbm>>
      tpu.enqueue_dma source(%dma_start3A_196 : memref<4096xf32, #tpu.memory_space<hbm>>) target(%arg11 : memref<4096xf32, #tpu.memory_space<vmem>>) target_semaphore(%run_scoped3A : memref<!tpu.dma_semaphore, #tpu.memory_space<semaphore_mem>>)
      %dma_wait3A = tpu.memref_slice %arg2[%add3A_130] : memref<49152xf32, #tpu.memory_space<hbm>> -> memref<4096xf32, #tpu.memory_space<hbm>>
      %dma_wait3A_197 = tpu.memref_slice %arg2[%add3A_130] : memref<49152xf32, #tpu.memory_space<hbm>> -> memref<4096xf32, #tpu.memory_space<hbm>>
      tpu.wait_dma2 semaphore(%run_scoped3A : memref<!tpu.dma_semaphore, #tpu.memory_space<semaphore_mem>>) src(%dma_wait3A_197 : memref<4096xf32, #tpu.memory_space<hbm>>) dst(%arg11 : memref<4096xf32, #tpu.memory_space<vmem>>)
      tpu.yield
    }) : () -> ()
    %scan3A_131 = arith.constant 0 : i32
    %scan3A_132 = arith.constant 0 : i32
    %scan3A_133 = arith.constant 8 : i32
    %scan3A_134 = arith.addi %scan3A_132, %scan3A_133 : i32
    %scan3A_135 = arith.constant 1 : i32
    %scan3A_136 = scf.for %scan3A_196 = %scan3A_132 to %scan3A_134 step %scan3A_135 iter_args(%scan3A_197 = %scan3A_131) -> (i32)  : i32 {
      %broadcast_in_dim3A_198 = arith.constant 0.000000e+00 : f32
      %broadcast_in_dim3A_199 = vector.broadcast %broadcast_in_dim3A_198 : f32 to vector<16xf32>
      %mul3A_200 = arith.constant 16 : i32
      %mul3A_201 = arith.muli %scan3A_196, %mul3A_200 : i32
      %swap3A_202 = arith.index_cast %mul3A_201 : i32 to index
      %swap3A_203 = tpu.vector_load %arg8[%swap3A_202] {strides = array<i32>} : memref<128xf32, #tpu.memory_space<vmem>>, vector<16xf32>,
      %swap3A_204 = vector.shape_cast %swap3A_203 : vector<16xf32> to vector<16xf32>
      %swap3A_205 = vector.shape_cast %broadcast_in_dim3A_199 : vector<16xf32> to vector<16xf32>
      tpu.vector_store %arg8[%swap3A_202], %swap3A_205 {strides = array<i32>} : memref<128xf32, #tpu.memory_space<vmem>>, vector<16xf32>,
      %scan3A_206 = arith.constant 0 : i32
      scf.yield %scan3A_206 : i32
    }
    %scan3A_137 = arith.constant 8 : i32
    %scan3A_138 = arith.constant 0 : i32
    %scan3A_139 = arith.constant 0 : i32
    %scan3A_140 = arith.constant 256 : i32
    %scan3A_141 = arith.addi %scan3A_139, %scan3A_140 : i32
    %scan3A_142 = arith.constant 1 : i32
    %scan3A_143 = scf.for %scan3A_196 = %scan3A_139 to %scan3A_141 step %scan3A_142 iter_args(%scan3A_197 = %scan3A_138) -> (i32)  : i32 {
      %broadcast_in_dim3A_198 = arith.constant 0.000000e+00 : f32
      %broadcast_in_dim3A_199 = vector.broadcast %broadcast_in_dim3A_198 : f32 to vector<16xf32>
      %mul3A_200 = arith.constant 16 : i32
      %mul3A_201 = arith.muli %scan3A_196, %mul3A_200 : i32
      %swap3A_202 = arith.index_cast %mul3A_201 : i32 to index
      %swap3A_203 = tpu.vector_load %arg12[%swap3A_202] {strides = array<i32>} : memref<4096xf32, #tpu.memory_space<vmem>>, vector<16xf32>,
      %swap3A_204 = vector.shape_cast %swap3A_203 : vector<16xf32> to vector<16xf32>
      %swap3A_205 = vector.shape_cast %broadcast_in_dim3A_199 : vector<16xf32> to vector<16xf32>
      tpu.vector_store %arg12[%swap3A_202], %swap3A_205 {strides = array<i32>} : memref<4096xf32, #tpu.memory_space<vmem>>, vector<16xf32>,
      %scan3A_206 = arith.constant 0 : i32
      scf.yield %scan3A_206 : i32
    }
    %scan3A_144 = arith.constant 256 : i32
    %scan3A_145 = arith.constant 0 : i32
    %scan3A_146 = arith.constant 0 : i32
    %scan3A_147 = arith.constant 8 : i32
    %scan3A_148 = arith.addi %scan3A_146, %scan3A_147 : i32
    %scan3A_149 = arith.constant 1 : i32
    %scan3A_150 = scf.for %scan3A_196 = %scan3A_146 to %scan3A_148 step %scan3A_149 iter_args(%scan3A_197 = %scan3A_145) -> (i32)  : i32 {
      %mul3A_198 = arith.constant 16 : i32
      %mul3A_199 = arith.muli %scan3A_196, %mul3A_198 : i32
      %get3A = arith.index_cast %mul3A_199 : i32 to index
      %get3A_200 = tpu.vector_load %arg5[%get3A] {strides = array<i32>} : memref<128xf32, #tpu.memory_space<vmem>>, vector<16xf32>,
      %get3A_201 = vector.shape_cast %get3A_200 : vector<16xf32> to vector<16xf32>
      %get3A_202 = arith.index_cast %mul3A_199 : i32 to index
      %get3A_203 = tpu.vector_load %arg8[%get3A_202] {strides = array<i32>} : memref<128xf32, #tpu.memory_space<vmem>>, vector<16xf32>,
      %get3A_204 = vector.shape_cast %get3A_203 : vector<16xf32> to vector<16xf32>
      %mul3A_205 = arith.mulf %get3A_201, %get3A_201 : vector<16xf32>
      %add3A_206 = arith.addf %get3A_204, %mul3A_205 : vector<16xf32>
      %swap3A_207 = arith.index_cast %mul3A_199 : i32 to index
      %swap3A_208 = tpu.vector_load %arg8[%swap3A_207] {strides = array<i32>} : memref<128xf32, #tpu.memory_space<vmem>>, vector<16xf32>,
      %swap3A_209 = vector.shape_cast %swap3A_208 : vector<16xf32> to vector<16xf32>
      %swap3A_210 = vector.shape_cast %add3A_206 : vector<16xf32> to vector<16xf32>
      tpu.vector_store %arg8[%swap3A_207], %swap3A_210 {strides = array<i32>} : memref<128xf32, #tpu.memory_space<vmem>>, vector<16xf32>,
      %mul3A_211 = arith.constant -2.000000e+00 : f32
      %mul3A_212 = vector.broadcast %mul3A_211 : f32 to vector<16xf32>
      %mul3A_213 = arith.mulf %get3A_201, %mul3A_212 : vector<16xf32>
      %convert_element_type3A = arith.truncf %mul3A_213 : vector<16xf32> to vector<16xbf16>
      %convert_element_type3A_214 = arith.extf %convert_element_type3A : vector<16xbf16> to vector<16xf32>
      %swap3A_215 = arith.index_cast %mul3A_199 : i32 to index
      %swap3A_216 = tpu.vector_load %arg5[%swap3A_215] {strides = array<i32>} : memref<128xf32, #tpu.memory_space<vmem>>, vector<16xf32>,
      %swap3A_217 = vector.shape_cast %swap3A_216 : vector<16xf32> to vector<16xf32>
      %swap3A_218 = vector.shape_cast %convert_element_type3A_214 : vector<16xf32> to vector<16xf32>
      tpu.vector_store %arg5[%swap3A_215], %swap3A_218 {strides = array<i32>} : memref<128xf32, #tpu.memory_space<vmem>>, vector<16xf32>,
      %scan3A_219 = arith.constant 0 : i32
      scf.yield %scan3A_219 : i32
    }
    %scan3A_151 = arith.constant 8 : i32
    %scan3A_152 = arith.constant 0 : i32
    %scan3A_153 = arith.constant 0 : i32
    %scan3A_154 = arith.constant 8 : i32
    %scan3A_155 = arith.addi %scan3A_153, %scan3A_154 : i32
    %scan3A_156 = arith.constant 1 : i32
    %scan3A_157 = scf.for %scan3A_196 = %scan3A_153 to %scan3A_155 step %scan3A_156 iter_args(%scan3A_197 = %scan3A_152) -> (i32)  : i32 {
      %mul3A_198 = arith.constant 16 : i32
      %mul3A_199 = arith.muli %scan3A_196, %mul3A_198 : i32
      %get3A = arith.index_cast %mul3A_199 : i32 to index
      %get3A_200 = tpu.vector_load %arg6[%get3A] {strides = array<i32>} : memref<128xf32, #tpu.memory_space<vmem>>, vector<16xf32>,
      %get3A_201 = vector.shape_cast %get3A_200 : vector<16xf32> to vector<16xf32>
      %get3A_202 = arith.index_cast %mul3A_199 : i32 to index
      %get3A_203 = tpu.vector_load %arg8[%get3A_202] {strides = array<i32>} : memref<128xf32, #tpu.memory_space<vmem>>, vector<16xf32>,
      %get3A_204 = vector.shape_cast %get3A_203 : vector<16xf32> to vector<16xf32>
      %mul3A_205 = arith.mulf %get3A_201, %get3A_201 : vector<16xf32>
      %add3A_206 = arith.addf %get3A_204, %mul3A_205 : vector<16xf32>
      %swap3A_207 = arith.index_cast %mul3A_199 : i32 to index
      %swap3A_208 = tpu.vector_load %arg8[%swap3A_207] {strides = array<i32>} : memref<128xf32, #tpu.memory_space<vmem>>, vector<16xf32>,
      %swap3A_209 = vector.shape_cast %swap3A_208 : vector<16xf32> to vector<16xf32>
      %swap3A_210 = vector.shape_cast %add3A_206 : vector<16xf32> to vector<16xf32>
      tpu.vector_store %arg8[%swap3A_207], %swap3A_210 {strides = array<i32>} : memref<128xf32, #tpu.memory_space<vmem>>, vector<16xf32>,
      %mul3A_211 = arith.constant -2.000000e+00 : f32
      %mul3A_212 = vector.broadcast %mul3A_211 : f32 to vector<16xf32>
      %mul3A_213 = arith.mulf %get3A_201, %mul3A_212 : vector<16xf32>
      %convert_element_type3A = arith.truncf %mul3A_213 : vector<16xf32> to vector<16xbf16>
      %convert_element_type3A_214 = arith.extf %convert_element_type3A : vector<16xbf16> to vector<16xf32>
      %swap3A_215 = arith.index_cast %mul3A_199 : i32 to index
      %swap3A_216 = tpu.vector_load %arg6[%swap3A_215] {strides = array<i32>} : memref<128xf32, #tpu.memory_space<vmem>>, vector<16xf32>,
      %swap3A_217 = vector.shape_cast %swap3A_216 : vector<16xf32> to vector<16xf32>
      %swap3A_218 = vector.shape_cast %convert_element_type3A_214 : vector<16xf32> to vector<16xf32>
      tpu.vector_store %arg6[%swap3A_215], %swap3A_218 {strides = array<i32>} : memref<128xf32, #tpu.memory_space<vmem>>, vector<16xf32>,
      %scan3A_219 = arith.constant 0 : i32
      scf.yield %scan3A_219 : i32
    }
    %scan3A_158 = arith.constant 8 : i32
    %scan3A_159 = arith.constant 0 : i32
    %scan3A_160 = arith.constant 0 : i32
    %scan3A_161 = arith.constant 8 : i32
    %scan3A_162 = arith.addi %scan3A_160, %scan3A_161 : i32
    %scan3A_163 = arith.constant 1 : i32
    %scan3A_164 = scf.for %scan3A_196 = %scan3A_160 to %scan3A_162 step %scan3A_163 iter_args(%scan3A_197 = %scan3A_159) -> (i32)  : i32 {
      %mul3A_198 = arith.constant 16 : i32
      %mul3A_199 = arith.muli %scan3A_196, %mul3A_198 : i32
      %get3A = arith.index_cast %mul3A_199 : i32 to index
      %get3A_200 = tpu.vector_load %arg7[%get3A] {strides = array<i32>} : memref<128xf32, #tpu.memory_space<vmem>>, vector<16xf32>,
      %get3A_201 = vector.shape_cast %get3A_200 : vector<16xf32> to vector<16xf32>
      %get3A_202 = arith.index_cast %mul3A_199 : i32 to index
      %get3A_203 = tpu.vector_load %arg8[%get3A_202] {strides = array<i32>} : memref<128xf32, #tpu.memory_space<vmem>>, vector<16xf32>,
      %get3A_204 = vector.shape_cast %get3A_203 : vector<16xf32> to vector<16xf32>
      %mul3A_205 = arith.mulf %get3A_201, %get3A_201 : vector<16xf32>
      %add3A_206 = arith.addf %get3A_204, %mul3A_205 : vector<16xf32>
      %swap3A_207 = arith.index_cast %mul3A_199 : i32 to index
      %swap3A_208 = tpu.vector_load %arg8[%swap3A_207] {strides = array<i32>} : memref<128xf32, #tpu.memory_space<vmem>>, vector<16xf32>,
      %swap3A_209 = vector.shape_cast %swap3A_208 : vector<16xf32> to vector<16xf32>
      %swap3A_210 = vector.shape_cast %add3A_206 : vector<16xf32> to vector<16xf32>
      tpu.vector_store %arg8[%swap3A_207], %swap3A_210 {strides = array<i32>} : memref<128xf32, #tpu.memory_space<vmem>>, vector<16xf32>,
      %mul3A_211 = arith.constant -2.000000e+00 : f32
      %mul3A_212 = vector.broadcast %mul3A_211 : f32 to vector<16xf32>
      %mul3A_213 = arith.mulf %get3A_201, %mul3A_212 : vector<16xf32>
      %convert_element_type3A = arith.truncf %mul3A_213 : vector<16xf32> to vector<16xbf16>
      %convert_element_type3A_214 = arith.extf %convert_element_type3A : vector<16xbf16> to vector<16xf32>
      %swap3A_215 = arith.index_cast %mul3A_199 : i32 to index
      %swap3A_216 = tpu.vector_load %arg7[%swap3A_215] {strides = array<i32>} : memref<128xf32, #tpu.memory_space<vmem>>, vector<16xf32>,
      %swap3A_217 = vector.shape_cast %swap3A_216 : vector<16xf32> to vector<16xf32>
      %swap3A_218 = vector.shape_cast %convert_element_type3A_214 : vector<16xf32> to vector<16xf32>
      tpu.vector_store %arg7[%swap3A_215], %swap3A_218 {strides = array<i32>} : memref<128xf32, #tpu.memory_space<vmem>>, vector<16xf32>,
      %scan3A_219 = arith.constant 0 : i32
      scf.yield %scan3A_219 : i32
    }
    %scan3A_165 = arith.constant 8 : i32
    %scan3A_166 = arith.constant 0 : i32
    %scan3A_167 = arith.constant 0 : i32
    %scan3A_168 = arith.constant 256 : i32
    %scan3A_169 = arith.addi %scan3A_167, %scan3A_168 : i32
    %scan3A_170 = arith.constant 1 : i32
    %scan3A_171 = scf.for %scan3A_196 = %scan3A_167 to %scan3A_169 step %scan3A_170 iter_args(%scan3A_197 = %scan3A_166) -> (i32)  : i32 {
      %mul3A_198 = arith.constant 16 : i32
      %mul3A_199 = arith.muli %scan3A_196, %mul3A_198 : i32
      %get3A = arith.index_cast %mul3A_199 : i32 to index
      %get3A_200 = tpu.vector_load %arg9[%get3A] {strides = array<i32>} : memref<4096xf32, #tpu.memory_space<vmem>>, vector<16xf32>,
      %get3A_201 = vector.shape_cast %get3A_200 : vector<16xf32> to vector<16xf32>
      %get3A_202 = arith.index_cast %mul3A_199 : i32 to index
      %get3A_203 = tpu.vector_load %arg12[%get3A_202] {strides = array<i32>} : memref<4096xf32, #tpu.memory_space<vmem>>, vector<16xf32>,
      %get3A_204 = vector.shape_cast %get3A_203 : vector<16xf32> to vector<16xf32>
      %mul3A_205 = arith.mulf %get3A_201, %get3A_201 : vector<16xf32>
      %add3A_206 = arith.addf %get3A_204, %mul3A_205 : vector<16xf32>
      %swap3A_207 = arith.index_cast %mul3A_199 : i32 to index
      %swap3A_208 = tpu.vector_load %arg12[%swap3A_207] {strides = array<i32>} : memref<4096xf32, #tpu.memory_space<vmem>>, vector<16xf32>,
      %swap3A_209 = vector.shape_cast %swap3A_208 : vector<16xf32> to vector<16xf32>
      %swap3A_210 = vector.shape_cast %add3A_206 : vector<16xf32> to vector<16xf32>
      tpu.vector_store %arg12[%swap3A_207], %swap3A_210 {strides = array<i32>} : memref<4096xf32, #tpu.memory_space<vmem>>, vector<16xf32>,
      %convert_element_type3A = arith.truncf %get3A_201 : vector<16xf32> to vector<16xbf16>
      %convert_element_type3A_211 = arith.extf %convert_element_type3A : vector<16xbf16> to vector<16xf32>
      %swap3A_212 = arith.index_cast %mul3A_199 : i32 to index
      %swap3A_213 = tpu.vector_load %arg9[%swap3A_212] {strides = array<i32>} : memref<4096xf32, #tpu.memory_space<vmem>>, vector<16xf32>,
      %swap3A_214 = vector.shape_cast %swap3A_213 : vector<16xf32> to vector<16xf32>
      %swap3A_215 = vector.shape_cast %convert_element_type3A_211 : vector<16xf32> to vector<16xf32>
      tpu.vector_store %arg9[%swap3A_212], %swap3A_215 {strides = array<i32>} : memref<4096xf32, #tpu.memory_space<vmem>>, vector<16xf32>,
      %scan3A_216 = arith.constant 0 : i32
      scf.yield %scan3A_216 : i32
    }
    %scan3A_172 = arith.constant 256 : i32
    %scan3A_173 = arith.constant 0 : i32
    %scan3A_174 = arith.constant 0 : i32
    %scan3A_175 = arith.constant 256 : i32
    %scan3A_176 = arith.addi %scan3A_174, %scan3A_175 : i32
    %scan3A_177 = arith.constant 1 : i32
    %scan3A_178 = scf.for %scan3A_196 = %scan3A_174 to %scan3A_176 step %scan3A_177 iter_args(%scan3A_197 = %scan3A_173) -> (i32)  : i32 {
      %mul3A_198 = arith.constant 16 : i32
      %mul3A_199 = arith.muli %scan3A_196, %mul3A_198 : i32
      %get3A = arith.index_cast %mul3A_199 : i32 to index
      %get3A_200 = tpu.vector_load %arg10[%get3A] {strides = array<i32>} : memref<4096xf32, #tpu.memory_space<vmem>>, vector<16xf32>,
      %get3A_201 = vector.shape_cast %get3A_200 : vector<16xf32> to vector<16xf32>
      %get3A_202 = arith.index_cast %mul3A_199 : i32 to index
      %get3A_203 = tpu.vector_load %arg12[%get3A_202] {strides = array<i32>} : memref<4096xf32, #tpu.memory_space<vmem>>, vector<16xf32>,
      %get3A_204 = vector.shape_cast %get3A_203 : vector<16xf32> to vector<16xf32>
      %mul3A_205 = arith.mulf %get3A_201, %get3A_201 : vector<16xf32>
      %add3A_206 = arith.addf %get3A_204, %mul3A_205 : vector<16xf32>
      %swap3A_207 = arith.index_cast %mul3A_199 : i32 to index
      %swap3A_208 = tpu.vector_load %arg12[%swap3A_207] {strides = array<i32>} : memref<4096xf32, #tpu.memory_space<vmem>>, vector<16xf32>,
      %swap3A_209 = vector.shape_cast %swap3A_208 : vector<16xf32> to vector<16xf32>
      %swap3A_210 = vector.shape_cast %add3A_206 : vector<16xf32> to vector<16xf32>
      tpu.vector_store %arg12[%swap3A_207], %swap3A_210 {strides = array<i32>} : memref<4096xf32, #tpu.memory_space<vmem>>, vector<16xf32>,
      %convert_element_type3A = arith.truncf %get3A_201 : vector<16xf32> to vector<16xbf16>
      %convert_element_type3A_211 = arith.extf %convert_element_type3A : vector<16xbf16> to vector<16xf32>
      %swap3A_212 = arith.index_cast %mul3A_199 : i32 to index
      %swap3A_213 = tpu.vector_load %arg10[%swap3A_212] {strides = array<i32>} : memref<4096xf32, #tpu.memory_space<vmem>>, vector<16xf32>,
      %swap3A_214 = vector.shape_cast %swap3A_213 : vector<16xf32> to vector<16xf32>
      %swap3A_215 = vector.shape_cast %convert_element_type3A_211 : vector<16xf32> to vector<16xf32>
      tpu.vector_store %arg10[%swap3A_212], %swap3A_215 {strides = array<i32>} : memref<4096xf32, #tpu.memory_space<vmem>>, vector<16xf32>,
      %scan3A_216 = arith.constant 0 : i32
      scf.yield %scan3A_216 : i32
    }
    %scan3A_179 = arith.constant 256 : i32
    %scan3A_180 = arith.constant 0 : i32
    %scan3A_181 = arith.constant 0 : i32
    %scan3A_182 = arith.constant 256 : i32
    %scan3A_183 = arith.addi %scan3A_181, %scan3A_182 : i32
    %scan3A_184 = arith.constant 1 : i32
    %scan3A_185 = scf.for %scan3A_196 = %scan3A_181 to %scan3A_183 step %scan3A_184 iter_args(%scan3A_197 = %scan3A_180) -> (i32)  : i32 {
      %mul3A_198 = arith.constant 16 : i32
      %mul3A_199 = arith.muli %scan3A_196, %mul3A_198 : i32
      %get3A = arith.index_cast %mul3A_199 : i32 to index
      %get3A_200 = tpu.vector_load %arg11[%get3A] {strides = array<i32>} : memref<4096xf32, #tpu.memory_space<vmem>>, vector<16xf32>,
      %get3A_201 = vector.shape_cast %get3A_200 : vector<16xf32> to vector<16xf32>
      %get3A_202 = arith.index_cast %mul3A_199 : i32 to index
      %get3A_203 = tpu.vector_load %arg12[%get3A_202] {strides = array<i32>} : memref<4096xf32, #tpu.memory_space<vmem>>, vector<16xf32>,
      %get3A_204 = vector.shape_cast %get3A_203 : vector<16xf32> to vector<16xf32>
      %mul3A_205 = arith.mulf %get3A_201, %get3A_201 : vector<16xf32>
      %add3A_206 = arith.addf %get3A_204, %mul3A_205 : vector<16xf32>
      %swap3A_207 = arith.index_cast %mul3A_199 : i32 to index
      %swap3A_208 = tpu.vector_load %arg12[%swap3A_207] {strides = array<i32>} : memref<4096xf32, #tpu.memory_space<vmem>>, vector<16xf32>,
      %swap3A_209 = vector.shape_cast %swap3A_208 : vector<16xf32> to vector<16xf32>
      %swap3A_210 = vector.shape_cast %add3A_206 : vector<16xf32> to vector<16xf32>
      tpu.vector_store %arg12[%swap3A_207], %swap3A_210 {strides = array<i32>} : memref<4096xf32, #tpu.memory_space<vmem>>, vector<16xf32>,
      %convert_element_type3A = arith.truncf %get3A_201 : vector<16xf32> to vector<16xbf16>
      %convert_element_type3A_211 = arith.extf %convert_element_type3A : vector<16xbf16> to vector<16xf32>
      %swap3A_212 = arith.index_cast %mul3A_199 : i32 to index
      %swap3A_213 = tpu.vector_load %arg11[%swap3A_212] {strides = array<i32>} : memref<4096xf32, #tpu.memory_space<vmem>>, vector<16xf32>,
      %swap3A_214 = vector.shape_cast %swap3A_213 : vector<16xf32> to vector<16xf32>
      %swap3A_215 = vector.shape_cast %convert_element_type3A_211 : vector<16xf32> to vector<16xf32>
      tpu.vector_store %arg11[%swap3A_212], %swap3A_215 {strides = array<i32>} : memref<4096xf32, #tpu.memory_space<vmem>>, vector<16xf32>,
      %scan3A_216 = arith.constant 0 : i32
      scf.yield %scan3A_216 : i32
    }
    %scan3A_186 = arith.constant 256 : i32
    %scan3A_187 = arith.constant 0 : i32
    %scan3A_188 = arith.constant 8 : i32
    %scan3A_189 = arith.addi %scan3A_187, %scan3A_188 : i32
    %scan3A_190 = arith.constant 1 : i32
    %scan3A_191 = scf.for %scan3A_196 = %scan3A_187 to %scan3A_189 step %scan3A_190 iter_args(%scan3A_197 = %scan3A_110) -> (vector<16xf32>)  : i32 {
      %mul3A_198 = arith.constant 16 : i32
      %mul3A_199 = arith.muli %scan3A_196, %mul3A_198 : i32
      %get3A = arith.index_cast %mul3A_199 : i32 to index
      %get3A_200 = tpu.vector_load %arg5[%get3A] {strides = array<i32>} : memref<128xf32, #tpu.memory_space<vmem>>, vector<16xf32>,
      %get3A_201 = vector.shape_cast %get3A_200 : vector<16xf32> to vector<16xf32>
      %get3A_202 = arith.index_cast %mul3A_199 : i32 to index
      %get3A_203 = tpu.vector_load %arg6[%get3A_202] {strides = array<i32>} : memref<128xf32, #tpu.memory_space<vmem>>, vector<16xf32>,
      %get3A_204 = vector.shape_cast %get3A_203 : vector<16xf32> to vector<16xf32>
      %get3A_205 = arith.index_cast %mul3A_199 : i32 to index
      %get3A_206 = tpu.vector_load %arg7[%get3A_205] {strides = array<i32>} : memref<128xf32, #tpu.memory_space<vmem>>, vector<16xf32>,
      %get3A_207 = vector.shape_cast %get3A_206 : vector<16xf32> to vector<16xf32>
      %get3A_208 = arith.index_cast %mul3A_199 : i32 to index
      %get3A_209 = tpu.vector_load %arg8[%get3A_208] {strides = array<i32>} : memref<128xf32, #tpu.memory_space<vmem>>, vector<16xf32>,
      %get3A_210 = vector.shape_cast %get3A_209 : vector<16xf32> to vector<16xf32>
      %broadcast_in_dim3A_211 = arith.constant 0x7F800000 : f32
      %broadcast_in_dim3A_212 = vector.broadcast %broadcast_in_dim3A_211 : f32 to vector<16xf32>
      %scan3A_213 = arith.constant 0 : i32
      %scan3A_214 = arith.constant 256 : i32
      %scan3A_215 = arith.addi %scan3A_213, %scan3A_214 : i32
      %scan3A_216 = arith.constant 1 : i32
      %scan3A_217 = scf.for %scan3A_225 = %scan3A_213 to %scan3A_215 step %scan3A_216 iter_args(%scan3A_226 = %broadcast_in_dim3A_212) -> (vector<16xf32>)  : i32 {
        %mul3A_227 = arith.constant 16 : i32
        %mul3A_228 = arith.muli %scan3A_225, %mul3A_227 : i32
        %get3A_229 = arith.index_cast %mul3A_228 : i32 to index
        %get3A_230 = tpu.vector_load %arg9[%get3A_229] {strides = array<i32>} : memref<4096xf32, #tpu.memory_space<vmem>>, vector<16xf32>,
        %get3A_231 = vector.shape_cast %get3A_230 : vector<16xf32> to vector<16xf32>
        %get3A_232 = arith.index_cast %mul3A_228 : i32 to index
        %get3A_233 = tpu.vector_load %arg10[%get3A_232] {strides = array<i32>} : memref<4096xf32, #tpu.memory_space<vmem>>, vector<16xf32>,
        %get3A_234 = vector.shape_cast %get3A_233 : vector<16xf32> to vector<16xf32>
        %get3A_235 = arith.index_cast %mul3A_228 : i32 to index
        %get3A_236 = tpu.vector_load %arg11[%get3A_235] {strides = array<i32>} : memref<4096xf32, #tpu.memory_space<vmem>>, vector<16xf32>,
        %get3A_237 = vector.shape_cast %get3A_236 : vector<16xf32> to vector<16xf32>
        %get3A_238 = arith.index_cast %mul3A_228 : i32 to index
        %get3A_239 = tpu.vector_load %arg12[%get3A_238] {strides = array<i32>} : memref<4096xf32, #tpu.memory_space<vmem>>, vector<16xf32>,
        %get3A_240 = vector.shape_cast %get3A_239 : vector<16xf32> to vector<16xf32>
        %slice3A = vector.extract_strided_slice %get3A_231 {offsets = [0], sizes = [1], strides = [1]} : vector<16xf32> to vector<1xf32>
        %squeeze3A = vector.extract %slice3A[0] : f32 from vector<1xf32>
        %mul3A_241 = vector.broadcast %squeeze3A : f32 to vector<16xf32>
        %mul3A_242 = arith.mulf %get3A_201, %mul3A_241 : vector<16xf32>
        %slice3A_243 = vector.extract_strided_slice %get3A_234 {offsets = [0], sizes = [1], strides = [1]} : vector<16xf32> to vector<1xf32>
        %squeeze3A_244 = vector.extract %slice3A_243[0] : f32 from vector<1xf32>
        %mul3A_245 = vector.broadcast %squeeze3A_244 : f32 to vector<16xf32>
        %mul3A_246 = arith.mulf %get3A_204, %mul3A_245 : vector<16xf32>
        %add3A_247 = arith.addf %mul3A_242, %mul3A_246 : vector<16xf32>
        %slice3A_248 = vector.extract_strided_slice %get3A_237 {offsets = [0], sizes = [1], strides = [1]} : vector<16xf32> to vector<1xf32>
        %squeeze3A_249 = vector.extract %slice3A_248[0] : f32 from vector<1xf32>
        %mul3A_250 = vector.broadcast %squeeze3A_249 : f32 to vector<16xf32>
        %mul3A_251 = arith.mulf %get3A_207, %mul3A_250 : vector<16xf32>
        %add3A_252 = arith.addf %add3A_247, %mul3A_251 : vector<16xf32>
        %slice3A_253 = vector.extract_strided_slice %get3A_240 {offsets = [0], sizes = [1], strides = [1]} : vector<16xf32> to vector<1xf32>
        %squeeze3A_254 = vector.extract %slice3A_253[0] : f32 from vector<1xf32>
        %add3A_255 = vector.broadcast %squeeze3A_254 : f32 to vector<16xf32>
        %add3A_256 = arith.addf %get3A_210, %add3A_255 : vector<16xf32>
        %add3A_257 = arith.addf %add3A_256, %add3A_252 : vector<16xf32>
        %slice3A_258 = vector.extract_strided_slice %get3A_231 {offsets = [1], sizes = [1], strides = [1]} : vector<16xf32> to vector<1xf32>
        %squeeze3A_259 = vector.extract %slice3A_258[0] : f32 from vector<1xf32>
        %mul3A_260 = vector.broadcast %squeeze3A_259 : f32 to vector<16xf32>
        %mul3A_261 = arith.mulf %get3A_201, %mul3A_260 : vector<16xf32>
        %slice3A_262 = vector.extract_strided_slice %get3A_234 {offsets = [1], sizes = [1], strides = [1]} : vector<16xf32> to vector<1xf32>
        %squeeze3A_263 = vector.extract %slice3A_262[0] : f32 from vector<1xf32>
        %mul3A_264 = vector.broadcast %squeeze3A_263 : f32 to vector<16xf32>
        %mul3A_265 = arith.mulf %get3A_204, %mul3A_264 : vector<16xf32>
        %add3A_266 = arith.addf %mul3A_261, %mul3A_265 : vector<16xf32>
        %slice3A_267 = vector.extract_strided_slice %get3A_237 {offsets = [1], sizes = [1], strides = [1]} : vector<16xf32> to vector<1xf32>
        %squeeze3A_268 = vector.extract %slice3A_267[0] : f32 from vector<1xf32>
        %mul3A_269 = vector.broadcast %squeeze3A_268 : f32 to vector<16xf32>
        %mul3A_270 = arith.mulf %get3A_207, %mul3A_269 : vector<16xf32>
        %add3A_271 = arith.addf %add3A_266, %mul3A_270 : vector<16xf32>
        %slice3A_272 = vector.extract_strided_slice %get3A_240 {offsets = [1], sizes = [1], strides = [1]} : vector<16xf32> to vector<1xf32>
        %squeeze3A_273 = vector.extract %slice3A_272[0] : f32 from vector<1xf32>
        %add3A_274 = vector.broadcast %squeeze3A_273 : f32 to vector<16xf32>
        %add3A_275 = arith.addf %get3A_210, %add3A_274 : vector<16xf32>
        %add3A_276 = arith.addf %add3A_275, %add3A_271 : vector<16xf32>
        %slice3A_277 = vector.extract_strided_slice %get3A_231 {offsets = [2], sizes = [1], strides = [1]} : vector<16xf32> to vector<1xf32>
        %squeeze3A_278 = vector.extract %slice3A_277[0] : f32 from vector<1xf32>
        %mul3A_279 = vector.broadcast %squeeze3A_278 : f32 to vector<16xf32>
        %mul3A_280 = arith.mulf %get3A_201, %mul3A_279 : vector<16xf32>
        %slice3A_281 = vector.extract_strided_slice %get3A_234 {offsets = [2], sizes = [1], strides = [1]} : vector<16xf32> to vector<1xf32>
        %squeeze3A_282 = vector.extract %slice3A_281[0] : f32 from vector<1xf32>
        %mul3A_283 = vector.broadcast %squeeze3A_282 : f32 to vector<16xf32>
        %mul3A_284 = arith.mulf %get3A_204, %mul3A_283 : vector<16xf32>
        %add3A_285 = arith.addf %mul3A_280, %mul3A_284 : vector<16xf32>
        %slice3A_286 = vector.extract_strided_slice %get3A_237 {offsets = [2], sizes = [1], strides = [1]} : vector<16xf32> to vector<1xf32>
        %squeeze3A_287 = vector.extract %slice3A_286[0] : f32 from vector<1xf32>
        %mul3A_288 = vector.broadcast %squeeze3A_287 : f32 to vector<16xf32>
        %mul3A_289 = arith.mulf %get3A_207, %mul3A_288 : vector<16xf32>
        %add3A_290 = arith.addf %add3A_285, %mul3A_289 : vector<16xf32>
        %slice3A_291 = vector.extract_strided_slice %get3A_240 {offsets = [2], sizes = [1], strides = [1]} : vector<16xf32> to vector<1xf32>
        %squeeze3A_292 = vector.extract %slice3A_291[0] : f32 from vector<1xf32>
        %add3A_293 = vector.broadcast %squeeze3A_292 : f32 to vector<16xf32>
        %add3A_294 = arith.addf %get3A_210, %add3A_293 : vector<16xf32>
        %add3A_295 = arith.addf %add3A_294, %add3A_290 : vector<16xf32>
        %slice3A_296 = vector.extract_strided_slice %get3A_231 {offsets = [3], sizes = [1], strides = [1]} : vector<16xf32> to vector<1xf32>
        %squeeze3A_297 = vector.extract %slice3A_296[0] : f32 from vector<1xf32>
        %mul3A_298 = vector.broadcast %squeeze3A_297 : f32 to vector<16xf32>
        %mul3A_299 = arith.mulf %get3A_201, %mul3A_298 : vector<16xf32>
        %slice3A_300 = vector.extract_strided_slice %get3A_234 {offsets = [3], sizes = [1], strides = [1]} : vector<16xf32> to vector<1xf32>
        %squeeze3A_301 = vector.extract %slice3A_300[0] : f32 from vector<1xf32>
        %mul3A_302 = vector.broadcast %squeeze3A_301 : f32 to vector<16xf32>
        %mul3A_303 = arith.mulf %get3A_204, %mul3A_302 : vector<16xf32>
        %add3A_304 = arith.addf %mul3A_299, %mul3A_303 : vector<16xf32>
        %slice3A_305 = vector.extract_strided_slice %get3A_237 {offsets = [3], sizes = [1], strides = [1]} : vector<16xf32> to vector<1xf32>
        %squeeze3A_306 = vector.extract %slice3A_305[0] : f32 from vector<1xf32>
        %mul3A_307 = vector.broadcast %squeeze3A_306 : f32 to vector<16xf32>
        %mul3A_308 = arith.mulf %get3A_207, %mul3A_307 : vector<16xf32>
        %add3A_309 = arith.addf %add3A_304, %mul3A_308 : vector<16xf32>
        %slice3A_310 = vector.extract_strided_slice %get3A_240 {offsets = [3], sizes = [1], strides = [1]} : vector<16xf32> to vector<1xf32>
        %squeeze3A_311 = vector.extract %slice3A_310[0] : f32 from vector<1xf32>
        %add3A_312 = vector.broadcast %squeeze3A_311 : f32 to vector<16xf32>
        %add3A_313 = arith.addf %get3A_210, %add3A_312 : vector<16xf32>
        %add3A_314 = arith.addf %add3A_313, %add3A_309 : vector<16xf32>
        %slice3A_315 = vector.extract_strided_slice %get3A_231 {offsets = [4], sizes = [1], strides = [1]} : vector<16xf32> to vector<1xf32>
        %squeeze3A_316 = vector.extract %slice3A_315[0] : f32 from vector<1xf32>
        %mul3A_317 = vector.broadcast %squeeze3A_316 : f32 to vector<16xf32>
        %mul3A_318 = arith.mulf %get3A_201, %mul3A_317 : vector<16xf32>
        %slice3A_319 = vector.extract_strided_slice %get3A_234 {offsets = [4], sizes = [1], strides = [1]} : vector<16xf32> to vector<1xf32>
        %squeeze3A_320 = vector.extract %slice3A_319[0] : f32 from vector<1xf32>
        %mul3A_321 = vector.broadcast %squeeze3A_320 : f32 to vector<16xf32>
        %mul3A_322 = arith.mulf %get3A_204, %mul3A_321 : vector<16xf32>
        %add3A_323 = arith.addf %mul3A_318, %mul3A_322 : vector<16xf32>
        %slice3A_324 = vector.extract_strided_slice %get3A_237 {offsets = [4], sizes = [1], strides = [1]} : vector<16xf32> to vector<1xf32>
        %squeeze3A_325 = vector.extract %slice3A_324[0] : f32 from vector<1xf32>
        %mul3A_326 = vector.broadcast %squeeze3A_325 : f32 to vector<16xf32>
        %mul3A_327 = arith.mulf %get3A_207, %mul3A_326 : vector<16xf32>
        %add3A_328 = arith.addf %add3A_323, %mul3A_327 : vector<16xf32>
        %slice3A_329 = vector.extract_strided_slice %get3A_240 {offsets = [4], sizes = [1], strides = [1]} : vector<16xf32> to vector<1xf32>
        %squeeze3A_330 = vector.extract %slice3A_329[0] : f32 from vector<1xf32>
        %add3A_331 = vector.broadcast %squeeze3A_330 : f32 to vector<16xf32>
        %add3A_332 = arith.addf %get3A_210, %add3A_331 : vector<16xf32>
        %add3A_333 = arith.addf %add3A_332, %add3A_328 : vector<16xf32>
        %slice3A_334 = vector.extract_strided_slice %get3A_231 {offsets = [5], sizes = [1], strides = [1]} : vector<16xf32> to vector<1xf32>
        %squeeze3A_335 = vector.extract %slice3A_334[0] : f32 from vector<1xf32>
        %mul3A_336 = vector.broadcast %squeeze3A_335 : f32 to vector<16xf32>
        %mul3A_337 = arith.mulf %get3A_201, %mul3A_336 : vector<16xf32>
        %slice3A_338 = vector.extract_strided_slice %get3A_234 {offsets = [5], sizes = [1], strides = [1]} : vector<16xf32> to vector<1xf32>
        %squeeze3A_339 = vector.extract %slice3A_338[0] : f32 from vector<1xf32>
        %mul3A_340 = vector.broadcast %squeeze3A_339 : f32 to vector<16xf32>
        %mul3A_341 = arith.mulf %get3A_204, %mul3A_340 : vector<16xf32>
        %add3A_342 = arith.addf %mul3A_337, %mul3A_341 : vector<16xf32>
        %slice3A_343 = vector.extract_strided_slice %get3A_237 {offsets = [5], sizes = [1], strides = [1]} : vector<16xf32> to vector<1xf32>
        %squeeze3A_344 = vector.extract %slice3A_343[0] : f32 from vector<1xf32>
        %mul3A_345 = vector.broadcast %squeeze3A_344 : f32 to vector<16xf32>
        %mul3A_346 = arith.mulf %get3A_207, %mul3A_345 : vector<16xf32>
        %add3A_347 = arith.addf %add3A_342, %mul3A_346 : vector<16xf32>
        %slice3A_348 = vector.extract_strided_slice %get3A_240 {offsets = [5], sizes = [1], strides = [1]} : vector<16xf32> to vector<1xf32>
        %squeeze3A_349 = vector.extract %slice3A_348[0] : f32 from vector<1xf32>
        %add3A_350 = vector.broadcast %squeeze3A_349 : f32 to vector<16xf32>
        %add3A_351 = arith.addf %get3A_210, %add3A_350 : vector<16xf32>
        %add3A_352 = arith.addf %add3A_351, %add3A_347 : vector<16xf32>
        %slice3A_353 = vector.extract_strided_slice %get3A_231 {offsets = [6], sizes = [1], strides = [1]} : vector<16xf32> to vector<1xf32>
        %squeeze3A_354 = vector.extract %slice3A_353[0] : f32 from vector<1xf32>
        %mul3A_355 = vector.broadcast %squeeze3A_354 : f32 to vector<16xf32>
        %mul3A_356 = arith.mulf %get3A_201, %mul3A_355 : vector<16xf32>
        %slice3A_357 = vector.extract_strided_slice %get3A_234 {offsets = [6], sizes = [1], strides = [1]} : vector<16xf32> to vector<1xf32>
        %squeeze3A_358 = vector.extract %slice3A_357[0] : f32 from vector<1xf32>
        %mul3A_359 = vector.broadcast %squeeze3A_358 : f32 to vector<16xf32>
        %mul3A_360 = arith.mulf %get3A_204, %mul3A_359 : vector<16xf32>
        %add3A_361 = arith.addf %mul3A_356, %mul3A_360 : vector<16xf32>
        %slice3A_362 = vector.extract_strided_slice %get3A_237 {offsets = [6], sizes = [1], strides = [1]} : vector<16xf32> to vector<1xf32>
        %squeeze3A_363 = vector.extract %slice3A_362[0] : f32 from vector<1xf32>
        %mul3A_364 = vector.broadcast %squeeze3A_363 : f32 to vector<16xf32>
        %mul3A_365 = arith.mulf %get3A_207, %mul3A_364 : vector<16xf32>
        %add3A_366 = arith.addf %add3A_361, %mul3A_365 : vector<16xf32>
        %slice3A_367 = vector.extract_strided_slice %get3A_240 {offsets = [6], sizes = [1], strides = [1]} : vector<16xf32> to vector<1xf32>
        %squeeze3A_368 = vector.extract %slice3A_367[0] : f32 from vector<1xf32>
        %add3A_369 = vector.broadcast %squeeze3A_368 : f32 to vector<16xf32>
        %add3A_370 = arith.addf %get3A_210, %add3A_369 : vector<16xf32>
        %add3A_371 = arith.addf %add3A_370, %add3A_366 : vector<16xf32>
        %slice3A_372 = vector.extract_strided_slice %get3A_231 {offsets = [7], sizes = [1], strides = [1]} : vector<16xf32> to vector<1xf32>
        %squeeze3A_373 = vector.extract %slice3A_372[0] : f32 from vector<1xf32>
        %mul3A_374 = vector.broadcast %squeeze3A_373 : f32 to vector<16xf32>
        %mul3A_375 = arith.mulf %get3A_201, %mul3A_374 : vector<16xf32>
        %slice3A_376 = vector.extract_strided_slice %get3A_234 {offsets = [7], sizes = [1], strides = [1]} : vector<16xf32> to vector<1xf32>
        %squeeze3A_377 = vector.extract %slice3A_376[0] : f32 from vector<1xf32>
        %mul3A_378 = vector.broadcast %squeeze3A_377 : f32 to vector<16xf32>
        %mul3A_379 = arith.mulf %get3A_204, %mul3A_378 : vector<16xf32>
        %add3A_380 = arith.addf %mul3A_375, %mul3A_379 : vector<16xf32>
        %slice3A_381 = vector.extract_strided_slice %get3A_237 {offsets = [7], sizes = [1], strides = [1]} : vector<16xf32> to vector<1xf32>
        %squeeze3A_382 = vector.extract %slice3A_381[0] : f32 from vector<1xf32>
        %mul3A_383 = vector.broadcast %squeeze3A_382 : f32 to vector<16xf32>
        %mul3A_384 = arith.mulf %get3A_207, %mul3A_383 : vector<16xf32>
        %add3A_385 = arith.addf %add3A_380, %mul3A_384 : vector<16xf32>
        %slice3A_386 = vector.extract_strided_slice %get3A_240 {offsets = [7], sizes = [1], strides = [1]} : vector<16xf32> to vector<1xf32>
        %squeeze3A_387 = vector.extract %slice3A_386[0] : f32 from vector<1xf32>
        %add3A_388 = vector.broadcast %squeeze3A_387 : f32 to vector<16xf32>
        %add3A_389 = arith.addf %get3A_210, %add3A_388 : vector<16xf32>
        %add3A_390 = arith.addf %add3A_389, %add3A_385 : vector<16xf32>
        %slice3A_391 = vector.extract_strided_slice %get3A_231 {offsets = [8], sizes = [1], strides = [1]} : vector<16xf32> to vector<1xf32>
        %squeeze3A_392 = vector.extract %slice3A_391[0] : f32 from vector<1xf32>
        %mul3A_393 = vector.broadcast %squeeze3A_392 : f32 to vector<16xf32>
        %mul3A_394 = arith.mulf %get3A_201, %mul3A_393 : vector<16xf32>
        %slice3A_395 = vector.extract_strided_slice %get3A_234 {offsets = [8], sizes = [1], strides = [1]} : vector<16xf32> to vector<1xf32>
        %squeeze3A_396 = vector.extract %slice3A_395[0] : f32 from vector<1xf32>
        %mul3A_397 = vector.broadcast %squeeze3A_396 : f32 to vector<16xf32>
        %mul3A_398 = arith.mulf %get3A_204, %mul3A_397 : vector<16xf32>
        %add3A_399 = arith.addf %mul3A_394, %mul3A_398 : vector<16xf32>
        %slice3A_400 = vector.extract_strided_slice %get3A_237 {offsets = [8], sizes = [1], strides = [1]} : vector<16xf32> to vector<1xf32>
        %squeeze3A_401 = vector.extract %slice3A_400[0] : f32 from vector<1xf32>
        %mul3A_402 = vector.broadcast %squeeze3A_401 : f32 to vector<16xf32>
        %mul3A_403 = arith.mulf %get3A_207, %mul3A_402 : vector<16xf32>
        %add3A_404 = arith.addf %add3A_399, %mul3A_403 : vector<16xf32>
        %slice3A_405 = vector.extract_strided_slice %get3A_240 {offsets = [8], sizes = [1], strides = [1]} : vector<16xf32> to vector<1xf32>
        %squeeze3A_406 = vector.extract %slice3A_405[0] : f32 from vector<1xf32>
        %add3A_407 = vector.broadcast %squeeze3A_406 : f32 to vector<16xf32>
        %add3A_408 = arith.addf %get3A_210, %add3A_407 : vector<16xf32>
        %add3A_409 = arith.addf %add3A_408, %add3A_404 : vector<16xf32>
        %slice3A_410 = vector.extract_strided_slice %get3A_231 {offsets = [9], sizes = [1], strides = [1]} : vector<16xf32> to vector<1xf32>
        %squeeze3A_411 = vector.extract %slice3A_410[0] : f32 from vector<1xf32>
        %mul3A_412 = vector.broadcast %squeeze3A_411 : f32 to vector<16xf32>
        %mul3A_413 = arith.mulf %get3A_201, %mul3A_412 : vector<16xf32>
        %slice3A_414 = vector.extract_strided_slice %get3A_234 {offsets = [9], sizes = [1], strides = [1]} : vector<16xf32> to vector<1xf32>
        %squeeze3A_415 = vector.extract %slice3A_414[0] : f32 from vector<1xf32>
        %mul3A_416 = vector.broadcast %squeeze3A_415 : f32 to vector<16xf32>
        %mul3A_417 = arith.mulf %get3A_204, %mul3A_416 : vector<16xf32>
        %add3A_418 = arith.addf %mul3A_413, %mul3A_417 : vector<16xf32>
        %slice3A_419 = vector.extract_strided_slice %get3A_237 {offsets = [9], sizes = [1], strides = [1]} : vector<16xf32> to vector<1xf32>
        %squeeze3A_420 = vector.extract %slice3A_419[0] : f32 from vector<1xf32>
        %mul3A_421 = vector.broadcast %squeeze3A_420 : f32 to vector<16xf32>
        %mul3A_422 = arith.mulf %get3A_207, %mul3A_421 : vector<16xf32>
        %add3A_423 = arith.addf %add3A_418, %mul3A_422 : vector<16xf32>
        %slice3A_424 = vector.extract_strided_slice %get3A_240 {offsets = [9], sizes = [1], strides = [1]} : vector<16xf32> to vector<1xf32>
        %squeeze3A_425 = vector.extract %slice3A_424[0] : f32 from vector<1xf32>
        %add3A_426 = vector.broadcast %squeeze3A_425 : f32 to vector<16xf32>
        %add3A_427 = arith.addf %get3A_210, %add3A_426 : vector<16xf32>
        %add3A_428 = arith.addf %add3A_427, %add3A_423 : vector<16xf32>
        %slice3A_429 = vector.extract_strided_slice %get3A_231 {offsets = [10], sizes = [1], strides = [1]} : vector<16xf32> to vector<1xf32>
        %squeeze3A_430 = vector.extract %slice3A_429[0] : f32 from vector<1xf32>
        %mul3A_431 = vector.broadcast %squeeze3A_430 : f32 to vector<16xf32>
        %mul3A_432 = arith.mulf %get3A_201, %mul3A_431 : vector<16xf32>
        %slice3A_433 = vector.extract_strided_slice %get3A_234 {offsets = [10], sizes = [1], strides = [1]} : vector<16xf32> to vector<1xf32>
        %squeeze3A_434 = vector.extract %slice3A_433[0] : f32 from vector<1xf32>
        %mul3A_435 = vector.broadcast %squeeze3A_434 : f32 to vector<16xf32>
        %mul3A_436 = arith.mulf %get3A_204, %mul3A_435 : vector<16xf32>
        %add3A_437 = arith.addf %mul3A_432, %mul3A_436 : vector<16xf32>
        %slice3A_438 = vector.extract_strided_slice %get3A_237 {offsets = [10], sizes = [1], strides = [1]} : vector<16xf32> to vector<1xf32>
        %squeeze3A_439 = vector.extract %slice3A_438[0] : f32 from vector<1xf32>
        %mul3A_440 = vector.broadcast %squeeze3A_439 : f32 to vector<16xf32>
        %mul3A_441 = arith.mulf %get3A_207, %mul3A_440 : vector<16xf32>
        %add3A_442 = arith.addf %add3A_437, %mul3A_441 : vector<16xf32>
        %slice3A_443 = vector.extract_strided_slice %get3A_240 {offsets = [10], sizes = [1], strides = [1]} : vector<16xf32> to vector<1xf32>
        %squeeze3A_444 = vector.extract %slice3A_443[0] : f32 from vector<1xf32>
        %add3A_445 = vector.broadcast %squeeze3A_444 : f32 to vector<16xf32>
        %add3A_446 = arith.addf %get3A_210, %add3A_445 : vector<16xf32>
        %add3A_447 = arith.addf %add3A_446, %add3A_442 : vector<16xf32>
        %slice3A_448 = vector.extract_strided_slice %get3A_231 {offsets = [11], sizes = [1], strides = [1]} : vector<16xf32> to vector<1xf32>
        %squeeze3A_449 = vector.extract %slice3A_448[0] : f32 from vector<1xf32>
        %mul3A_450 = vector.broadcast %squeeze3A_449 : f32 to vector<16xf32>
        %mul3A_451 = arith.mulf %get3A_201, %mul3A_450 : vector<16xf32>
        %slice3A_452 = vector.extract_strided_slice %get3A_234 {offsets = [11], sizes = [1], strides = [1]} : vector<16xf32> to vector<1xf32>
        %squeeze3A_453 = vector.extract %slice3A_452[0] : f32 from vector<1xf32>
        %mul3A_454 = vector.broadcast %squeeze3A_453 : f32 to vector<16xf32>
        %mul3A_455 = arith.mulf %get3A_204, %mul3A_454 : vector<16xf32>
        %add3A_456 = arith.addf %mul3A_451, %mul3A_455 : vector<16xf32>
        %slice3A_457 = vector.extract_strided_slice %get3A_237 {offsets = [11], sizes = [1], strides = [1]} : vector<16xf32> to vector<1xf32>
        %squeeze3A_458 = vector.extract %slice3A_457[0] : f32 from vector<1xf32>
        %mul3A_459 = vector.broadcast %squeeze3A_458 : f32 to vector<16xf32>
        %mul3A_460 = arith.mulf %get3A_207, %mul3A_459 : vector<16xf32>
        %add3A_461 = arith.addf %add3A_456, %mul3A_460 : vector<16xf32>
        %slice3A_462 = vector.extract_strided_slice %get3A_240 {offsets = [11], sizes = [1], strides = [1]} : vector<16xf32> to vector<1xf32>
        %squeeze3A_463 = vector.extract %slice3A_462[0] : f32 from vector<1xf32>
        %add3A_464 = vector.broadcast %squeeze3A_463 : f32 to vector<16xf32>
        %add3A_465 = arith.addf %get3A_210, %add3A_464 : vector<16xf32>
        %add3A_466 = arith.addf %add3A_465, %add3A_461 : vector<16xf32>
        %slice3A_467 = vector.extract_strided_slice %get3A_231 {offsets = [12], sizes = [1], strides = [1]} : vector<16xf32> to vector<1xf32>
        %squeeze3A_468 = vector.extract %slice3A_467[0] : f32 from vector<1xf32>
        %mul3A_469 = vector.broadcast %squeeze3A_468 : f32 to vector<16xf32>
        %mul3A_470 = arith.mulf %get3A_201, %mul3A_469 : vector<16xf32>
        %slice3A_471 = vector.extract_strided_slice %get3A_234 {offsets = [12], sizes = [1], strides = [1]} : vector<16xf32> to vector<1xf32>
        %squeeze3A_472 = vector.extract %slice3A_471[0] : f32 from vector<1xf32>
        %mul3A_473 = vector.broadcast %squeeze3A_472 : f32 to vector<16xf32>
        %mul3A_474 = arith.mulf %get3A_204, %mul3A_473 : vector<16xf32>
        %add3A_475 = arith.addf %mul3A_470, %mul3A_474 : vector<16xf32>
        %slice3A_476 = vector.extract_strided_slice %get3A_237 {offsets = [12], sizes = [1], strides = [1]} : vector<16xf32> to vector<1xf32>
        %squeeze3A_477 = vector.extract %slice3A_476[0] : f32 from vector<1xf32>
        %mul3A_478 = vector.broadcast %squeeze3A_477 : f32 to vector<16xf32>
        %mul3A_479 = arith.mulf %get3A_207, %mul3A_478 : vector<16xf32>
        %add3A_480 = arith.addf %add3A_475, %mul3A_479 : vector<16xf32>
        %slice3A_481 = vector.extract_strided_slice %get3A_240 {offsets = [12], sizes = [1], strides = [1]} : vector<16xf32> to vector<1xf32>
        %squeeze3A_482 = vector.extract %slice3A_481[0] : f32 from vector<1xf32>
        %add3A_483 = vector.broadcast %squeeze3A_482 : f32 to vector<16xf32>
        %add3A_484 = arith.addf %get3A_210, %add3A_483 : vector<16xf32>
        %add3A_485 = arith.addf %add3A_484, %add3A_480 : vector<16xf32>
        %slice3A_486 = vector.extract_strided_slice %get3A_231 {offsets = [13], sizes = [1], strides = [1]} : vector<16xf32> to vector<1xf32>
        %squeeze3A_487 = vector.extract %slice3A_486[0] : f32 from vector<1xf32>
        %mul3A_488 = vector.broadcast %squeeze3A_487 : f32 to vector<16xf32>
        %mul3A_489 = arith.mulf %get3A_201, %mul3A_488 : vector<16xf32>
        %slice3A_490 = vector.extract_strided_slice %get3A_234 {offsets = [13], sizes = [1], strides = [1]} : vector<16xf32> to vector<1xf32>
        %squeeze3A_491 = vector.extract %slice3A_490[0] : f32 from vector<1xf32>
        %mul3A_492 = vector.broadcast %squeeze3A_491 : f32 to vector<16xf32>
        %mul3A_493 = arith.mulf %get3A_204, %mul3A_492 : vector<16xf32>
        %add3A_494 = arith.addf %mul3A_489, %mul3A_493 : vector<16xf32>
        %slice3A_495 = vector.extract_strided_slice %get3A_237 {offsets = [13], sizes = [1], strides = [1]} : vector<16xf32> to vector<1xf32>
        %squeeze3A_496 = vector.extract %slice3A_495[0] : f32 from vector<1xf32>
        %mul3A_497 = vector.broadcast %squeeze3A_496 : f32 to vector<16xf32>
        %mul3A_498 = arith.mulf %get3A_207, %mul3A_497 : vector<16xf32>
        %add3A_499 = arith.addf %add3A_494, %mul3A_498 : vector<16xf32>
        %slice3A_500 = vector.extract_strided_slice %get3A_240 {offsets = [13], sizes = [1], strides = [1]} : vector<16xf32> to vector<1xf32>
        %squeeze3A_501 = vector.extract %slice3A_500[0] : f32 from vector<1xf32>
        %add3A_502 = vector.broadcast %squeeze3A_501 : f32 to vector<16xf32>
        %add3A_503 = arith.addf %get3A_210, %add3A_502 : vector<16xf32>
        %add3A_504 = arith.addf %add3A_503, %add3A_499 : vector<16xf32>
        %slice3A_505 = vector.extract_strided_slice %get3A_231 {offsets = [14], sizes = [1], strides = [1]} : vector<16xf32> to vector<1xf32>
        %squeeze3A_506 = vector.extract %slice3A_505[0] : f32 from vector<1xf32>
        %mul3A_507 = vector.broadcast %squeeze3A_506 : f32 to vector<16xf32>
        %mul3A_508 = arith.mulf %get3A_201, %mul3A_507 : vector<16xf32>
        %slice3A_509 = vector.extract_strided_slice %get3A_234 {offsets = [14], sizes = [1], strides = [1]} : vector<16xf32> to vector<1xf32>
        %squeeze3A_510 = vector.extract %slice3A_509[0] : f32 from vector<1xf32>
        %mul3A_511 = vector.broadcast %squeeze3A_510 : f32 to vector<16xf32>
        %mul3A_512 = arith.mulf %get3A_204, %mul3A_511 : vector<16xf32>
        %add3A_513 = arith.addf %mul3A_508, %mul3A_512 : vector<16xf32>
        %slice3A_514 = vector.extract_strided_slice %get3A_237 {offsets = [14], sizes = [1], strides = [1]} : vector<16xf32> to vector<1xf32>
        %squeeze3A_515 = vector.extract %slice3A_514[0] : f32 from vector<1xf32>
        %mul3A_516 = vector.broadcast %squeeze3A_515 : f32 to vector<16xf32>
        %mul3A_517 = arith.mulf %get3A_207, %mul3A_516 : vector<16xf32>
        %add3A_518 = arith.addf %add3A_513, %mul3A_517 : vector<16xf32>
        %slice3A_519 = vector.extract_strided_slice %get3A_240 {offsets = [14], sizes = [1], strides = [1]} : vector<16xf32> to vector<1xf32>
        %squeeze3A_520 = vector.extract %slice3A_519[0] : f32 from vector<1xf32>
        %add3A_521 = vector.broadcast %squeeze3A_520 : f32 to vector<16xf32>
        %add3A_522 = arith.addf %get3A_210, %add3A_521 : vector<16xf32>
        %add3A_523 = arith.addf %add3A_522, %add3A_518 : vector<16xf32>
        %slice3A_524 = vector.extract_strided_slice %get3A_231 {offsets = [15], sizes = [1], strides = [1]} : vector<16xf32> to vector<1xf32>
        %squeeze3A_525 = vector.extract %slice3A_524[0] : f32 from vector<1xf32>
        %mul3A_526 = vector.broadcast %squeeze3A_525 : f32 to vector<16xf32>
        %mul3A_527 = arith.mulf %get3A_201, %mul3A_526 : vector<16xf32>
        %slice3A_528 = vector.extract_strided_slice %get3A_234 {offsets = [15], sizes = [1], strides = [1]} : vector<16xf32> to vector<1xf32>
        %squeeze3A_529 = vector.extract %slice3A_528[0] : f32 from vector<1xf32>
        %mul3A_530 = vector.broadcast %squeeze3A_529 : f32 to vector<16xf32>
        %mul3A_531 = arith.mulf %get3A_204, %mul3A_530 : vector<16xf32>
        %add3A_532 = arith.addf %mul3A_527, %mul3A_531 : vector<16xf32>
        %slice3A_533 = vector.extract_strided_slice %get3A_237 {offsets = [15], sizes = [1], strides = [1]} : vector<16xf32> to vector<1xf32>
        %squeeze3A_534 = vector.extract %slice3A_533[0] : f32 from vector<1xf32>
        %mul3A_535 = vector.broadcast %squeeze3A_534 : f32 to vector<16xf32>
        %mul3A_536 = arith.mulf %get3A_207, %mul3A_535 : vector<16xf32>
        %add3A_537 = arith.addf %add3A_532, %mul3A_536 : vector<16xf32>
        %slice3A_538 = vector.extract_strided_slice %get3A_240 {offsets = [15], sizes = [1], strides = [1]} : vector<16xf32> to vector<1xf32>
        %squeeze3A_539 = vector.extract %slice3A_538[0] : f32 from vector<1xf32>
        %add3A_540 = vector.broadcast %squeeze3A_539 : f32 to vector<16xf32>
        %add3A_541 = arith.addf %get3A_210, %add3A_540 : vector<16xf32>
        %add3A_542 = arith.addf %add3A_541, %add3A_537 : vector<16xf32>
        %min3A = arith.minimumf %add3A_257, %add3A_276 : vector<16xf32>
        %min3A_543 = arith.minimumf %add3A_295, %add3A_314 : vector<16xf32>
        %min3A_544 = arith.minimumf %add3A_333, %add3A_352 : vector<16xf32>
        %min3A_545 = arith.minimumf %add3A_371, %add3A_390 : vector<16xf32>
        %min3A_546 = arith.minimumf %add3A_409, %add3A_428 : vector<16xf32>
        %min3A_547 = arith.minimumf %add3A_447, %add3A_466 : vector<16xf32>
        %min3A_548 = arith.minimumf %add3A_485, %add3A_504 : vector<16xf32>
        %min3A_549 = arith.minimumf %add3A_523, %add3A_542 : vector<16xf32>
        %min3A_550 = arith.minimumf %min3A, %min3A_543 : vector<16xf32>
        %min3A_551 = arith.minimumf %min3A_544, %min3A_545 : vector<16xf32>
        %min3A_552 = arith.minimumf %min3A_546, %min3A_547 : vector<16xf32>
        %min3A_553 = arith.minimumf %min3A_548, %min3A_549 : vector<16xf32>
        %min3A_554 = arith.minimumf %min3A_550, %min3A_551 : vector<16xf32>
        %min3A_555 = arith.minimumf %min3A_552, %min3A_553 : vector<16xf32>
        %min3A_556 = arith.minimumf %min3A_554, %min3A_555 : vector<16xf32>
        %min3A_557 = arith.minimumf %scan3A_226, %min3A_556 : vector<16xf32>
        scf.yield %min3A_557 : vector<16xf32>
      }
      %scan3A_218 = arith.constant 256 : i32
      %max3A = arith.constant 0.000000e+00 : f32
      %max3A_219 = vector.broadcast %max3A : f32 to vector<16xf32>
      %max3A_220 = arith.maximumf %scan3A_217, %max3A_219 : vector<16xf32>
      %mul3A_221 = arith.constant 6.10351563E-5 : f32
      %mul3A_222 = vector.broadcast %mul3A_221 : f32 to vector<16xf32>
      %mul3A_223 = arith.mulf %max3A_220, %mul3A_222 : vector<16xf32>
      %add3A_224 = arith.addf %scan3A_197, %mul3A_223 : vector<16xf32>
      scf.yield %add3A_224 : vector<16xf32>
    }
    %scan3A_192 = arith.constant 8 : i32
    %swap3A = arith.constant 0 : index
    %swap3A_193 = tpu.vector_load %arg13[%swap3A] {strides = array<i32>} : memref<16xf32, #tpu.memory_space<vmem>>, vector<16xf32>,
    %swap3A_194 = vector.shape_cast %swap3A_193 : vector<16xf32> to vector<16xf32>
    %swap3A_195 = vector.shape_cast %scan3A_191 : vector<16xf32> to vector<16xf32>
    tpu.vector_store %arg13[%swap3A], %swap3A_195 {strides = array<i32>} : memref<16xf32, #tpu.memory_space<vmem>>, vector<16xf32>,
    "tpu.region"() ({
      %run_scoped3A = tpu.sem_alloc : memref<!tpu.dma_semaphore, #tpu.memory_space<semaphore_mem>>
      %dma_start3A = arith.constant 0 : i32
      %dma_start3A_196 = tpu.memref_slice %arg4[%add3A, %dma_start3A] : memref<32x16xf32, #tpu.memory_space<hbm>> -> memref<1x16xf32, #tpu.memory_space<hbm>>
      %dma_start3A_197 = tpu.memref_squeeze %dma_start3A_196 : memref<1x16xf32, #tpu.memory_space<hbm>> -> memref<16xf32, #tpu.memory_space<hbm>>
      %dma_start3A_198 = arith.constant 0 : i32
      %dma_start3A_199 = tpu.memref_slice %arg4[%add3A, %dma_start3A_198] : memref<32x16xf32, #tpu.memory_space<hbm>> -> memref<1x16xf32, #tpu.memory_space<hbm>>
      %dma_start3A_200 = tpu.memref_squeeze %dma_start3A_199 : memref<1x16xf32, #tpu.memory_space<hbm>> -> memref<16xf32, #tpu.memory_space<hbm>>
      tpu.enqueue_dma source(%arg13 : memref<16xf32, #tpu.memory_space<vmem>>) target(%dma_start3A_200 : memref<16xf32, #tpu.memory_space<hbm>>) target_semaphore(%run_scoped3A : memref<!tpu.dma_semaphore, #tpu.memory_space<semaphore_mem>>)
      %dma_wait3A = arith.constant 0 : i32
      %dma_wait3A_201 = tpu.memref_slice %arg4[%add3A, %dma_wait3A] : memref<32x16xf32, #tpu.memory_space<hbm>> -> memref<1x16xf32, #tpu.memory_space<hbm>>
      %dma_wait3A_202 = tpu.memref_squeeze %dma_wait3A_201 : memref<1x16xf32, #tpu.memory_space<hbm>> -> memref<16xf32, #tpu.memory_space<hbm>>
      %dma_wait3A_203 = arith.constant 0 : i32
      %dma_wait3A_204 = tpu.memref_slice %arg4[%add3A, %dma_wait3A_203] : memref<32x16xf32, #tpu.memory_space<hbm>> -> memref<1x16xf32, #tpu.memory_space<hbm>>
      %dma_wait3A_205 = tpu.memref_squeeze %dma_wait3A_204 : memref<1x16xf32, #tpu.memory_space<hbm>> -> memref<16xf32, #tpu.memory_space<hbm>>
      tpu.wait_dma2 semaphore(%run_scoped3A : memref<!tpu.dma_semaphore, #tpu.memory_space<semaphore_mem>>) src(%arg13 : memref<16xf32, #tpu.memory_space<vmem>>) dst(%dma_wait3A_205 : memref<16xf32, #tpu.memory_space<hbm>>)
      tpu.yield
    }) : () -> ()
    return
  }
}

</mosaic_0001>

<sc_bundles>
// kernel: kernel.3.cloned.1.call-start
scs
__scs_entry_jumppad:
0x0: {  	(pc) =	sbr.rel $0x88, $3  }
0x1: {  	(tag) =	ssettag $0x0;
	lr =	simm.s32 $0x1  }
0x2: {  	[smem:$0x3F9F] =	sst lr;
	_ =	strace $0xD0000000  }
0x3: {  	_ = 	snop  }
0x4: {  	_ = 	snop  }
0x5: {  	_ = 	snop  }
0x6: {  	_ = 	snop  }
0x7: {  	_ = 	snop  }
__scs_overlays_trampoline_lowered:
0x8: {  	[smem:$0x3FAE] =	sst s0  }
0x9: {  	[smem:$0x3FAF] =	sst s1  }
0xa: {  	[smem:$0x3FB0] =	sst s2  }
0xb: {  	[smem:$0x3FB1] =	sst s3  }
0xc: {  	[smem:$0x3FB2] =	sst s4  }
0xd: {  	[smem:$0x3FB3] =	sst s5  }
0xe: {  	[smem:$0x3FB4] =	sst s6  }
0xf: {  	[smem:$0x3FB5] =	sst s7  }
0x10: {  	[smem:$0x3FB6] =	sst s8  }
0x11: {  	[smem:$0x3FB7] =	sst s9;
	s0 =	simm.s32 @!p0 $0x0  }
0x12: {  	s1 =	sld [smem:$0x3F9D];
	s0 =	simm.s32 @p0 $0x1  }
0x13: {  	[smem:$0x3FB8] =	sst s0;
	s0 =	simm.s32 @!p1 $0x0  }
0x14: {  	s2 =	sld [smem:$0x3F9C];
	s0 =	simm.s32 @p1 $0x1  }
0x15: {  	[smem:$0x3FB9] =	sst s0;
	s0 =	simm.s32 @!p2 $0x0  }
0x16: {  	s3 =	sld [smem:$0x3FDB];
	s0 =	simm.s32 @p2 $0x1  }
0x17: {  	s4 =	simm.s32 $0x1BF5;
	[smem:$0x3FBB] =	sst s0  }
0x18: {  	s0 =	sld [smem:$0x3F9E];
	_ =	swait.ge [sflag:s4], $0x0  }
0x19: {  	s7 =	sld [smem:$0x3F9F]  }
0x1a: {  	s8 =	sadd.s32 $0xFFFFE003, lr  }
0x1b: {  	s9 =	sadd.s32 $0xFFFFFEF7, lr;
	s5 =	simm.s32 $0xFFFFFFFF;
	p2 =	slt.u32 s8, $0xFFFFF086  }
0x1c: {  	p1 =	slt.u32 s9, $0xF7A;
	s5 =	simm.s32 @!p2 $0x0  }
0x1d: {  	s5 =	simm.s32 @p1 $0x1;
	p0 =	seq.s32 s7, s2  }
0x1e: {  	s7 =	smul.u32 @!p0 $0xF7A, s2;
	p2 =	seq.s32 @!p0 s5, $0x0  }
0x1f: {  	s9 =	smul.u32 $0xF7A, s1;
	s8 =	simm.s32 @!p0 $0x1BF5;
	p2 =	por !p2, p0  }
0x20: {  	[sflag:s8] =	ssyncset.s32 @!p0 $0xFFFFF086;
	s6 =	sadd.s32 @!p0 s3, s7;
	s7 =	simm.s32 @!p0 $0x108  }
0x21: {  	s3 =	sadd.s32 s3, s9;
	s6 =	sadd.s32 @!p0 $0x88, s6;
	s7 =	simm.s32 @p2 $0x1082  }
0x22: {  	[simem:s7], [sflag:s8] =	dma.local @!p0 [hbm:s6], $0xF7A  }
0x23: {  	s9 =	sor.u32 $0xD0000000, s2;
	s6 =	simm.s32 $0x108;
	_ =	swait.ge @!p0 [sflag:s8], $0x0  }
0x24: {  	s3 =	sadd.s32 $0x88, s3;
	s6 =	simm.s32 @!p1 $0x1082;
	[sflag:s4] =	ssyncset.s32 $0xFFFFF086  }
0x25: {  	[simem:s6], [sflag:s4] =	dma.local [hbm:s3], $0xF7A  }
0x26: {  	[smem:$0x3F9F] =	sst s1;
	(tag) =	ssettag s2;
	_ =	strace s9  }
0x27: {  	s1 =	sld [smem:$0x3FAF]  }
0x28: {  	s2 =	sld [smem:$0x3FB0]  }
0x29: {  	s4 =	sld [smem:$0x3FB2]  }
0x2a: {  	p0 =	seq.s32 s5, $0x0;
	s5 =	sld [smem:$0x3FB3]  }
0x2b: {  	s6 =	sld [smem:$0x3FB4]  }
0x2c: {  	s7 =	sld [smem:$0x3FB5]  }
0x2d: {  	s3 =	simm.s32 $0x108;
	s8 =	sld [smem:$0x3FB6]  }
0x2e: {  	s3 =	simm.s32 @!p0 $0x1082;
	s9 =	sld [smem:$0x3FB7]  }
0x2f: {  	lr =	sadd.s32 s0, s3;
	s0 =	sld [smem:$0x3FAE]  }
0x30: {  	s3 =	sld [smem:$0x3FB1]  }
0x31: {  	[smem:$0x3FBA] =	sst s10  }
0x32: {  	s10 =	sld [smem:$0x3FB8];
	_ =	sdelay $0x3  }
0x33: {  	p0 =	seq.s32 s10, $0x1;
	s10 =	sld [smem:$0x3FBA];
	_ =	sdelay $0x3  }
0x34: {  	[smem:$0x3FBA] =	sst s10  }
0x35: {  	s10 =	sld [smem:$0x3FB9];
	_ =	sdelay $0x3  }
0x36: {  	p1 =	seq.s32 s10, $0x1;
	s10 =	sld [smem:$0x3FBA];
	_ =	sdelay $0x3  }
0x37: {  	[smem:$0x3FBA] =	sst s10  }
0x38: {  	s10 =	sld [smem:$0x3FBB]  }
0x39: {  	_ = 	snop;
	(pc) =	sbr.ind lr, $3  }
0x3a: {  	_ = 	snop  }
0x3b: {  	_ = 	snop  }
0x3c: {  	p2 =	seq.s32 s10, $0x1;
	s10 =	sld [smem:$0x3FBA]  }
0x3d: {  	_ =	shalt  }
0x3e: {  	_ =	shalt  }
0x3f: {  	_ =	shalt  }
0x40: {  	_ =	shalt  }
0x41: {  	_ =	shalt  }
0x42: {  	_ =	shalt  }
0x43: {  	_ =	shalt  }
0x44: {  	_ =	shalt  }
0x45: {  	_ =	shalt  }
0x46: {  	_ =	shalt  }
0x47: {  	_ =	shalt  }
0x48: {  	_ =	shalt  }
0x49: {  	_ =	shalt  }
0x4a: {  	_ =	shalt  }
0x4b: {  	_ =	shalt  }
0x4c: {  	_ =	shalt  }
0x4d: {  	_ =	shalt  }
0x4e: {  	_ =	shalt  }
0x4f: {  	_ =	shalt  }
0x50: {  	_ =	shalt  }
0x51: {  	_ =	shalt  }
0x52: {  	_ =	shalt  }
0x53: {  	_ =	shalt  }
0x54: {  	_ =	shalt  }
0x55: {  	_ =	shalt  }
0x56: {  	_ =	shalt  }
0x57: {  	_ =	shalt  }
0x58: {  	_ =	shalt  }
0x59: {  	_ =	shalt  }
0x5a: {  	_ =	shalt  }
0x5b: {  	_ =	shalt  }
0x5c: {  	_ =	shalt  }
0x5d: {  	_ =	shalt  }
0x5e: {  	_ =	shalt  }
0x5f: {  	_ =	shalt  }
0x60: {  	_ =	shalt  }
0x61: {  	_ =	shalt  }
0x62: {  	_ =	shalt  }
0x63: {  	_ =	shalt  }
0x64: {  	_ =	shalt  }
0x65: {  	_ =	shalt  }
0x66: {  	_ =	shalt  }
0x67: {  	_ =	shalt  }
0x68: {  	_ =	shalt  }
0x69: {  	_ =	shalt  }
0x6a: {  	_ =	shalt  }
0x6b: {  	_ =	shalt  }
0x6c: {  	_ =	shalt  }
0x6d: {  	_ =	shalt  }
0x6e: {  	_ =	shalt  }
0x6f: {  	_ =	shalt  }
0x70: {  	_ =	shalt  }
0x71: {  	_ =	shalt  }
0x72: {  	_ =	shalt  }
0x73: {  	_ =	shalt  }
0x74: {  	_ =	shalt  }
0x75: {  	_ =	shalt  }
0x76: {  	_ =	shalt  }
0x77: {  	_ =	shalt  }
0x78: {  	_ =	shalt  }
0x79: {  	_ =	shalt  }
0x7a: {  	_ =	shalt  }
0x7b: {  	_ =	shalt  }
0x7c: {  	_ =	shalt  }
0x7d: {  	_ =	shalt  }
0x7e: {  	_ =	shalt  }
0x7f: {  	_ =	shalt  }
0x80: {  	_ =	shalt  }
0x81: {  	_ =	shalt  }
0x82: {  	_ =	shalt  }
0x83: {  	_ =	shalt  }
0x84: {  	_ =	shalt  }
0x85: {  	_ =	shalt  }
0x86: {  	_ =	shalt  }
0x87: {  	_ =	shalt  }
.Lfunc_end0:
.L_simem_size_0:
called_computation_lowered:
.L_overlay_start_0:
0x88: {  	s2 =	sld [smem:$0x3FD9]  }
0x89: {  	s3 =	sld [smem:$0x3FFE];
	_ =	sdelay $0x1  }
0x8a: {  	s1 =	srdreg.scid  }
0x8b: {  	s0 =	sand.u32 $0x1, s1  }
0x8c: {  	s16 =	sshll.u32 s0, $0xA;
	s2 =	sadd.s32 s3, s2  }
0x8d: {  	s2 =	sadd.s32 s2, s16  }
0x8e: {  	[smem:$0x3FC6] =	sst s2  }
0x8f: {  	_ = 	snop  }
0x90: {  	(tm) =	ssettm $0x1  }
0x91: {  	s17 =	sld [smem:$0x3FFB];
	_ =	sdelay $0x3  }
0x92: {  	_ =	strace s17  }
0x93: {  	s2 =	sld [smem:$0x3FFC];
	_ =	sdelay $0x3  }
0x94: {  	_ =	strace s2  }
0x95: {  	s2 =	sld [smem:$0x3FFD];
	_ =	sdelay $0x3  }
0x96: {  	_ =	strace s2  }
0x97: {  	_ =	strace $0x8FFFFFFF  }
0x98: {  	s18 =	sld [smem:$0x3FDB];
	_ =	sdelay $0x1  }
0x99: {  	s19 =	simm.s32 $_scs_section_size  }
0x9a: {  	s4 =	simm.s32 $_size__tile_overlayer_lowered;
	s5 =	simm.s32 $_tile_overlayer_lowered  }
0x9b: {  	s22 =	simm.s32 $0x1BFF;
	s21 =	sshll.u32 s5, $0x1;
	s2 =	sadd.s32 s19, s18  }
0x9c: {  	s6 =	simm.s32 $0x0;
	s20 =	sshll.u32 s4, $0x1;
	s4 =	sadd.s32 s21, s2  }
0x9d: {  	[timem:s6], [sflag:s22] =	dma.local [hbm:s4], s20  }
0x9e: {  	_ =	swait.ge [sflag:s22], s20  }
0x9f: {  	s3 =	ssub.s32 $0x0, s20;
	[sflag:s22] =	ssyncset.done $0x0  }
0xa0: {  	[sflag:s22] =	ssyncadd.s32 s3;
	_ =	sdelay $0x1  }
0xa1: {  	s23 =	simm.s32 $0x1B8B  }
0xa2: {  	_ =	swait.ge [sflag:s23], $0x1  }
0xa3: {  	[sflag:s23] =	ssyncset.done $0x0  }
0xa4: {  	s25 =	simm.s32 $0x1B8E;
	s24 =	sld [smem:$0x3FFE];
	[sflag:s23] =	ssyncadd.s32 $0xFFFFFFFF  }
0xa5: {  	s26 =	simm.s32 $execute0_lowered;
	[smem:$0x3FD2] =	sst s25  }
0xa6: {  	s4 =	sshll.u32 s26, $0x1;
	_ =	strace $0x80000046;
	[dreg:$0x1] =	wrdreg $0xFFFFFFFF  }
0xa7: {  	s28 =	simm.s32 $_size_execute0_lowered;
	s2 =	sadd.s32 s2, s4;
	[dreg:$0x0] =	wrdreg $0x0  }
0xa8: {  	s4 =	sshll.u32 s28, $0x1;
	[dreg:$0x2] =	wrdreg s2  }
0xa9: {  	[dreg:$0x3] =	wrdreg s4  }
0xaa: {  	[dreg:$0x4] =	wrdreg $0xC0  }
0xab: {  	_ =	task [dreg:s6], $0x5FFFF  }
0xac: {  	[dreg:$0x1] =	wrdreg $0xFFFFFFFF  }
0xad: {  	[dreg:$0x0] =	wrdreg $0x60  }
0xae: {  	[dreg:$0x2] =	wrdreg s24  }
0xaf: {  	[dreg:$0x3] =	wrdreg $0x9  }
0xb0: {  	_ =	task.clear_ibuf [dreg:s6], $0x4FFFF;
	_ =	strace $0x90000046  }
0xb1: {  	s29 =	simm.s32 $0x9;
	_ =	strace $0x80000048  }
0xb2: {  	_ =	swait.ge [sflag:s29], $0x1  }
0xb3: {  	[sflag:s29] =	ssyncadd.s32 $0xFFFFFFFF  }
0xb4: {  	_ =	strace $0x90000048  }
0xb5: {  	_ =	sfence  }
0xb6: {  	s30 =	sld [smem:$0x0];
	_ =	sdelay $0x2  }
0xb7: {  	s31 =	sshll.u32 s1, $0xD;
	s1 =	sshrl.u32 s1, $0x2  }
0xb8: {  	s3 =	sand.u32 $0x4000, s31;
	s1 =	sadd.s32 s1, s30  }
0xb9: {  	s0 =	sor.u32 s3, s0;
	s1 =	sshll.u32 s1, $0x11  }
0xba: {  	s0 =	sor.u32 s1, s0  }
0xbb: {  	s0 =	sadd.s32 $0x8F2B, s0  }
0xbc: {  	[sflag:s0] =	ssyncadd.remote.s32 $0x1  }
0xbd: {  	_ =	sfence.sel $0xFFFF  }
0xbe: {  	[dreg:$0x0] =	wrdreg $0xFFFFFFFF;
	(pc) =	sbr.abs _section_cstart, $3  }
0xbf: {  	[dreg:$0x1] =	wrdreg $0xFFFFFFFF  }
0xc0: {  	_ =	task.clear_ibuf [dreg:s6], $0x2FFFF;
	_ =	strace $0x9FFFFFFF  }
0xc1: {  	(tm) =	ssettm $0x7FFFFFFF  }
tec
execute0_lowered:
.L_overlay_start_1:
0x0: {  	(tag) =	ssettag $0x1  }
0x1: {  	s3 =	rddreg [dreg:$0x0]  }
0x2: {  	s0 =	rddreg [dreg:$0x1];
	s2 =	simm.s32 $0x0;
	s4 =	srdreg.scid  }
0x3: {  	s1 =	stileid.u32;
	s19 =	simm.s32 $0x100;
	s20 =	simm.s32 $0x200  }
0x4: {  	s21 =	simm.s32 $0x1200;
	s22 =	simm.s32 $0x2200;
	s23 =	simm.s32 $0x4200  }
0x5: {  	s24 =	simm.s32 $0x0;
	[smem:$0x7FF] =	sst s2;
	s14 =	sadd.s32 $0x200, s3  }
0x6: {  	s4 =	sand.u32 $0x1, s4;
	s5 =	sshll.u32 s1, $0x8;
	s8 =	sshrl.u32 s1, $0x2  }
0x7: {  	s11 =	sadd.s32 $0x1A00, s3;
	_ =	strace $0x80000047;
	s6 =	sshll.u32 s4, $0x7  }
0x8: {  	s7 =	sand.u32 $0x300, s5;
	s30 =	smul.u32 $0x3000, s8;
	s4 =	ssub.s32 $0x2, s4  }
0x9: {  	s5 =	sand.u32 $0xC00, s5;
	s6 =	sor.u32 s6, s7;
	s31 =	sshrl.u32 s4, $0x1  }
0xa: {  	s5 =	sor.u32 s5, s6;
	s6 =	sor.u32 s30, s6;
	s16 =	ssub.s32 s4, s31  }
0xb: {  	s13 =	sshrl.u32 s30, $0x3;
	s5 =	sshrl.u32 s5, $0x3;
	s9 =	sshrl.u32 s6, $0x3  }
0xc: {  	s6 =	sadd.s32 s11, s13;
	s17 =	sadd.s32 $0x200, s13;
	s18 =	sadd.s32 $0x400, s13  }
0xd: {  	s16 =	smax.u32 s16, $0x1;
	s15 =	sadd.s32 s5, s3;
	s3 =	sadd.s32 s14, s9  }
0xe: {  	s10 =	sadd.s32 $0x200, s9;
	s12 =	sadd.s32 $0x400, s9;
	s7 =	sadd.s32 s11, s17  }
0xf: {  	s8 =	sadd.s32 s11, s18;
	s9 =	sadd.s32 s11, s9;
	s4 =	sadd.s32 s14, s10  }
0x10: {  	s5 =	sadd.s32 s14, s12;
	s10 =	sadd.s32 s11, s10;
	s11 =	sadd.s32 s11, s12  }
0x11: {  	s12 =	sadd.s32 s14, s13;
	s13 =	sadd.s32 s14, s17;
	s14 =	sadd.s32 s14, s18  }
0x12: {  	v0 =	vimm.f32 $0.0e+00;
	s15 =	sadd.s32 $0x3200, s15;
	s17 =	simm.s32 $0x1;
	s18 =	simm.s32 $0x80  }
.LBB2_1:
0x13: {  	[tilespmem:s2], [sflag:$0x1] =	stream.linear.gather [hbm4b:s3+s2], $0x80, $0x38;
	[tilespmem:$0x4280] =	vst v63  }
0x14: {  	_ =	swait.ge [sflag:s17], $0x80  }
0x15: {  	[sflag:s17] =	ssyncset.done $0x0  }
0x16: {  	[sflag:s17] =	ssyncadd.s32 $0xFFFFFF80  }
0x17: {  	[tilespmem:s18], [sflag:$0x1] =	stream.linear.gather [hbm4b:s4+s2], $0x80, $0x38;
	[tilespmem:$0x4280] =	vst v63  }
0x18: {  	_ =	swait.ge [sflag:s17], $0x80  }
0x19: {  	[sflag:s17] =	ssyncset.done $0x0  }
0x1a: {  	[sflag:s17] =	ssyncadd.s32 $0xFFFFFF80  }
0x1b: {  	[tilespmem:s19], [sflag:$0x1] =	stream.linear.gather [hbm4b:s5+s2], $0x80, $0x38;
	[tilespmem:$0x4280] =	vst v63  }
0x1c: {  	_ =	swait.ge [sflag:s17], $0x80  }
0x1d: {  	[sflag:s17] =	ssyncset.done $0x0  }
0x1e: {  	[sflag:s17] =	ssyncadd.s32 $0xFFFFFF80  }
0x1f: {  	[tilespmem:s20], [sflag:$0x1] =	stream.linear.gather [hbm4b:s6+s2], $0x1000, $0x38;
	[tilespmem:$0x4280] =	vst v63  }
0x20: {  	_ =	swait.ge [sflag:s17], $0x1000  }
0x21: {  	[sflag:s17] =	ssyncset.done $0x0  }
0x22: {  	[sflag:s17] =	ssyncadd.s32 $0xFFFFF000  }
0x23: {  	[tilespmem:s21], [sflag:$0x1] =	stream.linear.gather [hbm4b:s7+s2], $0x1000, $0x38;
	[tilespmem:$0x4280] =	vst v63  }
0x24: {  	_ =	swait.ge [sflag:s17], $0x1000  }
0x25: {  	[sflag:s17] =	ssyncset.done $0x0  }
0x26: {  	[sflag:s17] =	ssyncadd.s32 $0xFFFFF000  }
0x27: {  	[tilespmem:s22], [sflag:$0x1] =	stream.linear.gather [hbm4b:s8+s2], $0x1000, $0x38;
	[tilespmem:$0x4280] =	vst v63  }
0x28: {  	_ =	swait.ge [sflag:s17], $0x1000  }
0x29: {  	[sflag:s17] =	ssyncset.done $0x0  }
0x2a: {  	[sflag:s17] =	ssyncadd.s32 $0xFFFFF000  }
0x2b: {  	[tilespmem:$0x180] =	vst v0  }
0x2c: {  	[tilespmem:$0x190] =	vst v0  }
0x2d: {  	[tilespmem:$0x1A0] =	vst v0  }
0x2e: {  	[tilespmem:$0x1B0] =	vst v0  }
0x2f: {  	[tilespmem:$0x1C0] =	vst v0  }
0x30: {  	[tilespmem:$0x1D0] =	vst v0  }
0x31: {  	[tilespmem:$0x1E0] =	vst v0  }
0x32: {  	s25 =	simm.s32 $0x40;
	s26 =	simm.s32 $0x0;
	[tilespmem:$0x1F0] =	vst v0  }
.LBB2_2:
0x33: {  	p0 =	sne.s32 s25, $0x3FC0;
	[tilespmem:s26+$0x3200] =	vst v0;
	s26 =	smov.u32 s25;
	s25 =	sadd.s32 $0x40, s25  }
.Ltmp0:
0x34: {  	(pc) =	sbr.rel @p0 .LBB2_2-.Ltmp0, $2  }
0x35: {  	_ =	sdelay $0x2  }
0x36: {  	s26 =	sshra.s32 s26, $0x2  }
0x37: {  	[tilespmem:s26+$0x3200] =	vst v0  }
0x38: {  	v1 =	vld [tilespmem:$0x0]  }
0x39: {  	v2 =	vld [tilespmem:$0x180]  }
0x3a: {  	v3 =	vld [tilespmem:$0x10]  }
0x3b: {  	v4 =	vld [tilespmem:$0x190]  }
0x3c: {  	v5 =	vld [tilespmem:$0x20]  }
0x3d: {  	v7 =	vld [tilespmem:$0x1A0];
	v6 =	vmul.f32 v1, v1  }
0x3e: {  	v8 =	vld [tilespmem:$0x30];
	v1 =	vmul.f32 $-2.000000000e+00, v1  }
0x3f: {  	v9 =	vld [tilespmem:$0x1B0];
	v61 =	vmul.f32 v3, v3;
	v2 =	vadd.f32 v6, v2  }
0x40: {  	v10 =	vld [tilespmem:$0x40];
	[tilespmem:$0x0] =	vst v1;
	v1 =	vmul.f32 $-2.000000000e+00, v3  }
0x41: {  	v63 =	vld [tilespmem:$0x1C0];
	v62 =	vmul.f32 v5, v5;
	[tilespmem:$0x180] =	vst v2;
	v2 =	vadd.f32 v61, v4  }
0x42: {  	v3 =	vld [tilespmem:$0x50];
	[tilespmem:$0x10] =	vst v1;
	v1 =	vmul.f32 $-2.000000000e+00, v5  }
0x43: {  	v12 =	vld [tilespmem:$0x1D0];
	v11 =	vmul.f32 v8, v8;
	[tilespmem:$0x190] =	vst v2;
	v2 =	vadd.f32 v62, v7  }
0x44: {  	v13 =	vld [tilespmem:$0x60];
	[tilespmem:$0x20] =	vst v1;
	v1 =	vmul.f32 $-2.000000000e+00, v8  }
0x45: {  	v15 =	vld [tilespmem:$0x1E0];
	v14 =	vmul.f32 v10, v10;
	[tilespmem:$0x1A0] =	vst v2;
	v2 =	vadd.f32 v11, v9  }
0x46: {  	v16 =	vld [tilespmem:$0x70];
	[tilespmem:$0x30] =	vst v1;
	v1 =	vmul.f32 $-2.000000000e+00, v10  }
0x47: {  	v18 =	vld [tilespmem:$0x1F0];
	v17 =	vmul.f32 v3, v3;
	[tilespmem:$0x1B0] =	vst v2;
	v2 =	vadd.f32 v14, v63  }
0x48: {  	v19 =	vld [tilespmem:$0x80];
	[tilespmem:$0x40] =	vst v1;
	v1 =	vmul.f32 $-2.000000000e+00, v3  }
0x49: {  	v20 =	vmul.f32 v13, v13;
	v21 =	vld [tilespmem:$0x180];
	[tilespmem:$0x1C0] =	vst v2;
	v2 =	vadd.f32 v17, v12  }
0x4a: {  	v3 =	vld [tilespmem:$0x90];
	[tilespmem:$0x50] =	vst v1;
	v1 =	vmul.f32 $-2.000000000e+00, v13  }
0x4b: {  	v24 =	vld [tilespmem:$0xA0];
	v22 =	vmul.f32 v16, v16;
	[tilespmem:$0x1D0] =	vst v2;
	v2 =	vadd.f32 v20, v15  }
0x4c: {  	v23 =	vld [tilespmem:$0x190];
	[tilespmem:$0x60] =	vst v1;
	v1 =	vmul.f32 $-2.000000000e+00, v16  }
0x4d: {  	v27 =	vld [tilespmem:$0xB0];
	v25 =	vmul.f32 v19, v19;
	[tilespmem:$0x1E0] =	vst v2;
	v2 =	vadd.f32 v22, v18  }
0x4e: {  	v26 =	vld [tilespmem:$0x1A0];
	[tilespmem:$0x70] =	vst v1;
	v1 =	vmul.f32 $-2.000000000e+00, v19  }
0x4f: {  	v30 =	vld [tilespmem:$0xC0];
	v28 =	vmul.f32 v3, v3;
	[tilespmem:$0x1F0] =	vst v2;
	v2 =	vadd.f32 v25, v21  }
0x50: {  	v29 =	vld [tilespmem:$0x1B0];
	[tilespmem:$0x80] =	vst v1;
	v1 =	vmul.f32 $-2.000000000e+00, v3  }
0x51: {  	v31 =	vmul.f32 v24, v24;
	v32 =	vld [tilespmem:$0x1C0];
	[tilespmem:$0x180] =	vst v2;
	v2 =	vadd.f32 v28, v23  }
0x52: {  	v3 =	vld [tilespmem:$0xD0];
	[tilespmem:$0x90] =	vst v1;
	v1 =	vmul.f32 $-2.000000000e+00, v24  }
0x53: {  	v35 =	vld [tilespmem:$0xE0];
	v33 =	vmul.f32 v27, v27;
	[tilespmem:$0x190] =	vst v2;
	v2 =	vadd.f32 v31, v26  }
0x54: {  	v34 =	vld [tilespmem:$0x1D0];
	[tilespmem:$0xA0] =	vst v1;
	v1 =	vmul.f32 $-2.000000000e+00, v27  }
0x55: {  	v38 =	vld [tilespmem:$0xF0];
	v36 =	vmul.f32 v30, v30;
	[tilespmem:$0x1A0] =	vst v2;
	v2 =	vadd.f32 v33, v29  }
0x56: {  	v37 =	vld [tilespmem:$0x1E0];
	[tilespmem:$0xB0] =	vst v1;
	v1 =	vmul.f32 $-2.000000000e+00, v30  }
0x57: {  	v41 =	vld [tilespmem:$0x100];
	v39 =	vmul.f32 v3, v3;
	[tilespmem:$0x1B0] =	vst v2;
	v2 =	vadd.f32 v36, v32  }
0x58: {  	v40 =	vld [tilespmem:$0x1F0];
	[tilespmem:$0xC0] =	vst v1;
	v1 =	vmul.f32 $-2.000000000e+00, v3  }
0x59: {  	v42 =	vmul.f32 v35, v35;
	v43 =	vld [tilespmem:$0x180];
	[tilespmem:$0x1C0] =	vst v2;
	v2 =	vadd.f32 v39, v34  }
0x5a: {  	v3 =	vld [tilespmem:$0x110];
	[tilespmem:$0xD0] =	vst v1;
	v1 =	vmul.f32 $-2.000000000e+00, v35  }
0x5b: {  	v46 =	vld [tilespmem:$0x120];
	v44 =	vmul.f32 v38, v38;
	[tilespmem:$0x1D0] =	vst v2;
	v2 =	vadd.f32 v42, v37  }
0x5c: {  	v45 =	vld [tilespmem:$0x190];
	[tilespmem:$0xE0] =	vst v1;
	v1 =	vmul.f32 $-2.000000000e+00, v38  }
0x5d: {  	v49 =	vld [tilespmem:$0x130];
	v47 =	vmul.f32 v41, v41;
	[tilespmem:$0x1E0] =	vst v2;
	v2 =	vadd.f32 v44, v40  }
0x5e: {  	v48 =	vld [tilespmem:$0x1A0];
	[tilespmem:$0xF0] =	vst v1;
	v1 =	vmul.f32 $-2.000000000e+00, v41  }
0x5f: {  	v52 =	vld [tilespmem:$0x140];
	v50 =	vmul.f32 v3, v3;
	[tilespmem:$0x1F0] =	vst v2;
	v2 =	vadd.f32 v47, v43  }
0x60: {  	v51 =	vld [tilespmem:$0x1B0];
	[tilespmem:$0x100] =	vst v1;
	v1 =	vmul.f32 $-2.000000000e+00, v3  }
0x61: {  	v53 =	vmul.f32 v46, v46;
	v54 =	vld [tilespmem:$0x1C0];
	[tilespmem:$0x180] =	vst v2;
	v2 =	vadd.f32 v50, v45  }
0x62: {  	v3 =	vld [tilespmem:$0x150];
	[tilespmem:$0x110] =	vst v1;
	v1 =	vmul.f32 $-2.000000000e+00, v46  }
0x63: {  	v57 =	vld [tilespmem:$0x160];
	v55 =	vmul.f32 v49, v49;
	[tilespmem:$0x190] =	vst v2;
	v2 =	vadd.f32 v53, v48  }
0x64: {  	v56 =	vld [tilespmem:$0x1D0];
	[tilespmem:$0x120] =	vst v1;
	v1 =	vmul.f32 $-2.000000000e+00, v49  }
0x65: {  	v60 =	vld [tilespmem:$0x170];
	v58 =	vmul.f32 v52, v52;
	[tilespmem:$0x1A0] =	vst v2;
	v2 =	vadd.f32 v55, v51  }
0x66: {  	v59 =	vld [tilespmem:$0x1E0];
	[tilespmem:$0x130] =	vst v1;
	v1 =	vmul.f32 $-2.000000000e+00, v52  }
0x67: {  	v61 =	vmul.f32 v3, v3;
	[tilespmem:$0x1B0] =	vst v2;
	v2 =	vadd.f32 v58, v54  }
0x68: {  	v62 =	vld [tilespmem:$0x1F0];
	[tilespmem:$0x140] =	vst v1;
	v1 =	vmul.f32 $-2.000000000e+00, v3  }
0x69: {  	v63 =	vmul.f32 v57, v57;
	[tilespmem:$0x1C0] =	vst v2;
	v2 =	vadd.f32 v61, v56  }
0x6a: {  	[tilespmem:$0x150] =	vst v1;
	v1 =	vmul.f32 $-2.000000000e+00, v57  }
0x6b: {  	v3 =	vmul.f32 v60, v60;
	[tilespmem:$0x1D0] =	vst v2;
	v2 =	vadd.f32 v63, v59  }
0x6c: {  	[tilespmem:$0x160] =	vst v1;
	v1 =	vmul.f32 $-2.000000000e+00, v60  }
0x6d: {  	[tilespmem:$0x1E0] =	vst v2;
	v2 =	vadd.f32 v3, v62  }
0x6e: {  	[tilespmem:$0x170] =	vst v1  }
0x6f: {  	s25 =	simm.s32 $0x0;
	[tilespmem:$0x1F0] =	vst v2  }
0x70: {  	v1 =	vld [tilespmem:s25+$0x200];
	_ =	sdelay $0x1  }
0x71: {  	v2 =	vld [tilespmem:s25+$0x3200];
	_ =	sdelay $0x2  }
0x72: {  	v1 =	vmul.f32 v1, v1;
	_ =	sdelay $0x1  }
0x73: {  	s29 =	simm.s32 $0x10;
	s26 =	simm.s32 $0x80;
	s28 =	simm.s32 $0x0;
	v1 =	vadd.f32 v1, v2  }
.LBB2_4:
0x74: {  	p0 =	sne.s32 s26, $0x3FC0;
	v2 =	vld [tilespmem:s29+$0x200]  }
0x75: {  	[tilespmem:s28+$0x3200] =	vst v1;
	s28 =	smov.u32 s29  }
0x76: {  	v1 =	vld [tilespmem:s28+$0x3200]  }
.Ltmp1:
0x77: {  	(pc) =	sbr.rel @p0 .LBB2_4-.Ltmp1, $3  }
0x78: {  	_ = 	snop  }
0x79: {  	v2 =	vmul.f32 v2, v2;
	_ =	sdelay $0x1  }
0x7a: {  	s29 =	sshra.s32 s26, $0x2;
	s26 =	sadd.s32 $0x40, s26;
	v1 =	vadd.f32 v2, v1  }
0x7b: {  	v2 =	vld [tilespmem:s29+$0x200]  }
0x7c: {  	[tilespmem:s28+$0x3200] =	vst v1  }
0x7d: {  	v1 =	vld [tilespmem:s29+$0x3200];
	_ =	sdelay $0x2  }
0x7e: {  	v2 =	vmul.f32 v2, v2;
	_ =	sdelay $0x1  }
0x7f: {  	v1 =	vadd.f32 v2, v1;
	_ =	sdelay $0x1  }
0x80: {  	[tilespmem:s29+$0x3200] =	vst v1  }
0x81: {  	v1 =	vld [tilespmem:s25+$0x1200];
	_ =	sdelay $0x1  }
0x82: {  	v2 =	vld [tilespmem:s25+$0x3200];
	_ =	sdelay $0x2  }
0x83: {  	v1 =	vmul.f32 v1, v1;
	_ =	sdelay $0x1  }
0x84: {  	s26 =	simm.s32 $0x80;
	s28 =	simm.s32 $0x10;
	v1 =	vadd.f32 v1, v2  }
.LBB2_6:
0x85: {  	p0 =	sne.s32 s26, $0x3FC0;
	v2 =	vld [tilespmem:s28+$0x1200]  }
0x86: {  	[tilespmem:s25+$0x3200] =	vst v1;
	s25 =	smov.u32 s28  }
0x87: {  	v1 =	vld [tilespmem:s25+$0x3200]  }
.Ltmp2:
0x88: {  	(pc) =	sbr.rel @p0 .LBB2_6-.Ltmp2, $3  }
0x89: {  	_ = 	snop  }
0x8a: {  	v2 =	vmul.f32 v2, v2;
	_ =	sdelay $0x1  }
0x8b: {  	s28 =	sshra.s32 s26, $0x2;
	s26 =	sadd.s32 $0x40, s26;
	v1 =	vadd.f32 v2, v1  }
0x8c: {  	v2 =	vld [tilespmem:s28+$0x1200]  }
0x8d: {  	[tilespmem:s25+$0x3200] =	vst v1  }
0x8e: {  	v1 =	vld [tilespmem:s28+$0x3200];
	_ =	sdelay $0x2  }
0x8f: {  	v2 =	vmul.f32 v2, v2;
	_ =	sdelay $0x1  }
0x90: {  	v1 =	vadd.f32 v2, v1;
	_ =	sdelay $0x1  }
0x91: {  	s26 =	simm.s32 $0x0;
	[tilespmem:s28+$0x3200] =	vst v1  }
0x92: {  	v1 =	vld [tilespmem:s26+$0x2200];
	_ =	sdelay $0x1  }
0x93: {  	v2 =	vld [tilespmem:s26+$0x3200];
	_ =	sdelay $0x2  }
0x94: {  	v1 =	vmul.f32 v1, v1;
	_ =	sdelay $0x1  }
0x95: {  	s29 =	simm.s32 $0x10;
	s25 =	simm.s32 $0x0;
	s28 =	simm.s32 $0x80;
	v1 =	vadd.f32 v1, v2  }
.LBB2_8:
0x96: {  	p0 =	sne.s32 s28, $0x3FC0;
	v2 =	vld [tilespmem:s29+$0x2200]  }
0x97: {  	[tilespmem:s26+$0x3200] =	vst v1;
	s26 =	smov.u32 s29  }
0x98: {  	v1 =	vld [tilespmem:s26+$0x3200]  }
.Ltmp3:
0x99: {  	(pc) =	sbr.rel @p0 .LBB2_8-.Ltmp3, $3  }
0x9a: {  	_ = 	snop  }
0x9b: {  	v2 =	vmul.f32 v2, v2;
	_ =	sdelay $0x1  }
0x9c: {  	s29 =	sshra.s32 s28, $0x2;
	s28 =	sadd.s32 $0x40, s28;
	v1 =	vadd.f32 v2, v1  }
0x9d: {  	v2 =	vld [tilespmem:s29+$0x2200]  }
0x9e: {  	[tilespmem:s26+$0x3200] =	vst v1  }
0x9f: {  	v1 =	vld [tilespmem:s29+$0x3200];
	_ =	sdelay $0x2  }
0xa0: {  	v2 =	vmul.f32 v2, v2;
	_ =	sdelay $0x1  }
0xa1: {  	v1 =	vadd.f32 v2, v1;
	_ =	sdelay $0x1  }
0xa2: {  	v10 =	vimm.f32 $0.0e+00;
	[tilespmem:s29+$0x3200] =	vst v1  }
.LBB2_10:
0xa3: {  	s26 =	simm.s32 $0x0  }
0xa4: {  	v2 =	vld [tilespmem:s26+$0x3200];
	_ =	sdelay $0x4  }
0xa5: {  	v9 =	vbroadcast v2, $0x0  }
0xa6: {  	v11 =	vbroadcast v2, $0x1;
	v12 =	vbroadcast v2, $0x2  }
0xa7: {  	v8 =	vbroadcast v2, $0x3;
	v7 =	vbroadcast v2, $0x4  }
0xa8: {  	v25 =	vld [tilespmem:s26+$0x2200];
	v17 =	vbroadcast v2, $0x5;
	v19 =	vbroadcast v2, $0x6  }
0xa9: {  	v21 =	vbroadcast v2, $0x7;
	v22 =	vbroadcast v2, $0x8  }
0xaa: {  	v24 =	vbroadcast v2, $0x9;
	v16 =	vbroadcast v2, $0xA  }
0xab: {  	v4 =	vld [tilespmem:s26+$0x200];
	v18 =	vbroadcast v2, $0xB;
	v20 =	vbroadcast v2, $0xC  }
0xac: {  	v5 =	vld [tilespmem:s26+$0x1200];
	v28 =	vbroadcast v2, $0xD;
	v23 =	vbroadcast v2, $0xE  }
0xad: {  	[tilespmem:$0x1FFF0] =	vst v10;
	v14 =	vbroadcast v2, $0xF;
	v10 =	vbroadcast v25, $0x0  }
0xae: {  	v13 =	vbroadcast v25, $0x1;
	v15 =	vbroadcast v25, $0x2  }
0xaf: {  	v26 =	vbroadcast v25, $0x3;
	v27 =	vbroadcast v25, $0x4  }
0xb0: {  	v29 =	vbroadcast v25, $0x5;
	v30 =	vbroadcast v25, $0x6  }
0xb1: {  	v6 =	vbroadcast v4, $0x0;
	v31 =	vbroadcast v5, $0x0  }
0xb2: {  	v32 =	vbroadcast v4, $0x1;
	v33 =	vbroadcast v5, $0x1  }
0xb3: {  	v34 =	vbroadcast v4, $0x2;
	v35 =	vbroadcast v5, $0x2  }
0xb4: {  	v36 =	vbroadcast v4, $0x3;
	v37 =	vbroadcast v5, $0x3  }
0xb5: {  	v38 =	vbroadcast v4, $0x4;
	v39 =	vbroadcast v5, $0x4  }
0xb6: {  	v40 =	vbroadcast v4, $0x5;
	v41 =	vbroadcast v5, $0x5  }
0xb7: {  	v42 =	vbroadcast v4, $0x6;
	v43 =	vbroadcast v5, $0x6  }
0xb8: {  	v44 =	vbroadcast v4, $0x7;
	v45 =	vbroadcast v5, $0x7  }
0xb9: {  	v46 =	vbroadcast v4, $0x8;
	v47 =	vbroadcast v5, $0x8  }
0xba: {  	v48 =	vbroadcast v4, $0x9;
	v49 =	vbroadcast v5, $0x9  }
0xbb: {  	s31 =	sshll.u32 s25, $0x4;
	v50 =	vbroadcast v4, $0xA;
	v51 =	vbroadcast v5, $0xA  }
0xbc: {  	v3 =	vld [tilespmem:s31+$0x80];
	v52 =	vbroadcast v4, $0xB;
	v53 =	vbroadcast v5, $0xB  }
0xbd: {  	v54 =	vbroadcast v4, $0xC;
	v55 =	vbroadcast v5, $0xC  }
0xbe: {  	v2 =	vld [tilespmem:s31+$0x0];
	v56 =	vbroadcast v4, $0xD;
	v57 =	vbroadcast v5, $0xD  }
0xbf: {  	v58 =	vbroadcast v4, $0xE;
	v59 =	vbroadcast v5, $0xE  }
0xc0: {  	v4 =	vbroadcast v4, $0xF;
	v60 =	vbroadcast v5, $0xF  }
0xc1: {  	v39 =	vmul.f32 v39, v3;
	v41 =	vmul.f32 v41, v3  }
0xc2: {  	v45 =	vmul.f32 v45, v3;
	v47 =	vmul.f32 v47, v3  }
0xc3: {  	v5 =	vmul.f32 v6, v2;
	v6 =	vmul.f32 v31, v3  }
0xc4: {  	v31 =	vmul.f32 v32, v2;
	v32 =	vmul.f32 v33, v3  }
0xc5: {  	v33 =	vmul.f32 v34, v2;
	v34 =	vmul.f32 v35, v3  }
0xc6: {  	v61 =	vadd.f32 v6, v5;
	v5 =	vmul.f32 v36, v2;
	v6 =	vmul.f32 v37, v3  }
0xc7: {  	v38 =	vmul.f32 v38, v2;
	v40 =	vmul.f32 v40, v2  }
0xc8: {  	v63 =	vadd.f32 v6, v5;
	v5 =	vmul.f32 v42, v2;
	v6 =	vmul.f32 v43, v3  }
0xc9: {  	v44 =	vmul.f32 v44, v2;
	v46 =	vmul.f32 v46, v2;
	v31 =	vadd.f32 v32, v31  }
0xca: {  	v62 =	vadd.f32 v34, v33;
	v33 =	vadd.f32 v6, v5;
	v5 =	vmul.f32 v48, v2  }
0xcb: {  	v32 =	vadd.f32 v39, v38;
	v6 =	vmul.f32 v49, v3;
	v49 =	vmul.f32 v50, v2  }
0xcc: {  	v1 =	vadd.f32 v41, v40;
	v50 =	vmul.f32 v51, v3;
	v51 =	vmul.f32 v52, v2  }
0xcd: {  	v34 =	vadd.f32 v45, v44;
	v52 =	vmul.f32 v53, v3;
	v53 =	vmul.f32 v55, v3  }
0xce: {  	v55 =	vmul.f32 v57, v3;
	v57 =	vmul.f32 v59, v3;
	v36 =	vadd.f32 v6, v5;
	v5 =	vld [tilespmem:s31+$0x100]  }
0xcf: {  	v35 =	vadd.f32 v47, v46;
	v59 =	vmul.f32 v60, v3;
	v60 =	vbroadcast v25, $0x9  }
0xd0: {  	v6 =	vmul.f32 v54, v2;
	v37 =	vadd.f32 v50, v49;
	v54 =	vmul.f32 v56, v2  }
0xd1: {  	v38 =	vadd.f32 v52, v51;
	v56 =	vmul.f32 v58, v2;
	v49 =	vbroadcast v25, $0x7  }
0xd2: {  	v58 =	vmul.f32 v4, v2;
	v50 =	vbroadcast v25, $0x8;
	v39 =	vadd.f32 v53, v6;
	v6 =	vld [tilespmem:s31+$0x180]  }
0xd3: {  	v4 =	vbroadcast v25, $0xD;
	v40 =	vadd.f32 v55, v54;
	v10 =	vmul.f32 v10, v5  }
0xd4: {  	v41 =	vadd.f32 v57, v56;
	v13 =	vmul.f32 v13, v5;
	v15 =	vmul.f32 v15, v5  }
0xd5: {  	v55 =	vimm.f32 $+Inf;
	v42 =	vadd.f32 v59, v58;
	v43 =	vadd.f32 v10, v61  }
0xd6: {  	v56 =	vbroadcast v25, $0xF;
	v44 =	vadd.f32 v13, v31;
	v45 =	vadd.f32 v15, v62  }
0xd7: {  	v61 =	vbroadcast v25, $0xA;
	v10 =	vadd.f32 v9, v6;
	v11 =	vadd.f32 v11, v6  }
0xd8: {  	v13 =	vmul.f32 v26, v5;
	v12 =	vadd.f32 v12, v6;
	v17 =	vadd.f32 v17, v6  }
0xd9: {  	v62 =	vbroadcast v25, $0xB;
	v19 =	vadd.f32 v19, v6;
	v21 =	vadd.f32 v21, v6  }
0xda: {  	v9 =	vmul.f32 v27, v5;
	v22 =	vadd.f32 v22, v6;
	v24 =	vadd.f32 v24, v6  }
0xdb: {  	v15 =	vmul.f32 v29, v5;
	v26 =	vadd.f32 v18, v6;
	v27 =	vadd.f32 v20, v6  }
0xdc: {  	v31 =	vmul.f32 v30, v5;
	v29 =	vadd.f32 v28, v6;
	v30 =	vadd.f32 v23, v6  }
0xdd: {  	v20 =	vmul.f32 v60, v5;
	v28 =	vadd.f32 v14, v6;
	v46 =	vadd.f32 v13, v63  }
0xde: {  	v63 =	vbroadcast v25, $0xC;
	v47 =	vadd.f32 v9, v32;
	v13 =	vadd.f32 v8, v6  }
0xdf: {  	v48 =	vadd.f32 v15, v1;
	v8 =	vbroadcast v25, $0xE;
	v32 =	vmul.f32 v49, v5  }
0xe0: {  	v15 =	vadd.f32 v7, v6;
	v49 =	vmul.f32 v50, v5;
	v18 =	vmul.f32 v61, v5  }
0xe1: {  	s26 =	simm.s32 $0x40;
	v25 =	vadd.f32 v16, v6;
	v16 =	vmul.f32 v62, v5;
	v14 =	vmul.f32 v63, v5  }
.LBB2_11:
0xe2: {  	v1 =	vadd.f32 v31, v33;
	v23 =	vadd.f32 v32, v34  }
0xe3: {  	v18 =	vadd.f32 v18, v37;
	v57 =	vadd.f32 v49, v35  }
0xe4: {  	v20 =	vadd.f32 v20, v36;
	v16 =	vadd.f32 v16, v38  }
0xe5: {  	v14 =	vadd.f32 v14, v39;
	v58 =	vadd.f32 v43, v10  }
0xe6: {  	s28 =	sshra.s32 s26, $0x2;
	v59 =	vadd.f32 v44, v11;
	v60 =	vadd.f32 v45, v12  }
0xe7: {  	v31 =	vld [tilespmem:s28+$0x3200];
	v61 =	vadd.f32 v46, v13;
	v62 =	vadd.f32 v47, v15  }
0xe8: {  	v63 =	vadd.f32 v48, v17;
	v1 =	vadd.f32 v1, v19  }
0xe9: {  	v21 =	vadd.f32 v23, v21;
	v18 =	vadd.f32 v18, v25  }
0xea: {  	v22 =	vadd.f32 v57, v22;
	v20 =	vadd.f32 v20, v24;
	v9 =	vmul.f32 v4, v5  }
0xeb: {  	v16 =	vadd.f32 v16, v26;
	v8 =	vmul.f32 v8, v5;
	v7 =	vmul.f32 v56, v5  }
0xec: {  	v35 =	vld [tilespmem:s28+$0x200];
	v14 =	vadd.f32 v14, v27;
	v10 =	vbroadcast v31, $0x0;
	v11 =	vbroadcast v31, $0x1  }
0xed: {  	v38 =	vld [tilespmem:s28+$0x1200];
	v25 =	vmin.f32 v62, v63;
	v12 =	vbroadcast v31, $0x2;
	v13 =	vbroadcast v31, $0x3  }
0xee: {  	v1 =	vmin.f32 v1, v21;
	v15 =	vbroadcast v31, $0x4;
	v17 =	vbroadcast v31, $0x5  }
0xef: {  	v20 =	vmin.f32 v22, v20;
	v19 =	vbroadcast v31, $0x6;
	v22 =	vbroadcast v31, $0x7  }
0xf0: {  	v1 =	vmin.f32 v25, v1;
	v33 =	vbroadcast v31, $0x9;
	v25 =	vbroadcast v31, $0xA  }
0xf1: {  	v8 =	vadd.f32 v8, v41;
	v26 =	vbroadcast v31, $0xB;
	v27 =	vbroadcast v31, $0xC  }
0xf2: {  	v7 =	vadd.f32 v7, v42;
	v41 =	vbroadcast v38, $0x0;
	v42 =	vbroadcast v35, $0x1  }
0xf3: {  	v43 =	vbroadcast v38, $0x1;
	v44 =	vbroadcast v35, $0x2  }
0xf4: {  	v45 =	vbroadcast v38, $0x2;
	v46 =	vbroadcast v35, $0x3  }
0xf5: {  	v47 =	vbroadcast v38, $0x3;
	v48 =	vbroadcast v35, $0x4  }
0xf6: {  	v49 =	vbroadcast v38, $0x4;
	v50 =	vbroadcast v35, $0x5  }
0xf7: {  	v51 =	vbroadcast v38, $0x5;
	v52 =	vbroadcast v35, $0x6  }
0xf8: {  	v53 =	vbroadcast v38, $0x6;
	v54 =	vbroadcast v35, $0x7  }
0xf9: {  	v56 =	vbroadcast v35, $0x8;
	v57 =	vbroadcast v38, $0x8  }
0xfa: {  	v23 =	vmin.f32 v58, v59;
	v58 =	vbroadcast v35, $0x9;
	v59 =	vbroadcast v38, $0x9  }
0xfb: {  	v24 =	vmin.f32 v60, v61;
	v21 =	vld [tilespmem:s28+$0x2200];
	v60 =	vbroadcast v35, $0xA;
	v61 =	vbroadcast v38, $0xA  }
0xfc: {  	v9 =	vadd.f32 v9, v40;
	v62 =	vbroadcast v35, $0xB;
	v63 =	vbroadcast v38, $0xB  }
0xfd: {  	v16 =	vmin.f32 v18, v16;
	v4 =	vbroadcast v38, $0xC;
	v18 =	vbroadcast v38, $0xF  }
0xfe: {  	v9 =	vadd.f32 v9, v29;
	v8 =	vadd.f32 v8, v30;
	v29 =	vbroadcast v31, $0xD  }
0xff: {  	v7 =	vadd.f32 v7, v28;
	v30 =	vbroadcast v31, $0xE;
	v28 =	vbroadcast v31, $0xF  }
0x100: {  	v4 =	vmul.f32 v4, v3;
	v32 =	vbroadcast v21, $0x2  }
0x101: {  	v34 =	vbroadcast v21, $0x3;
	v36 =	vbroadcast v21, $0x4  }
0x102: {  	v37 =	vbroadcast v21, $0x5;
	v39 =	vbroadcast v21, $0x6  }
0x103: {  	v40 =	vbroadcast v21, $0x7;
	v0 =	vbroadcast v21, $0x8  }
0x104: {  	v9 =	vmin.f32 v14, v9;
	v7 =	vmin.f32 v8, v7;
	v8 =	vmin.f32 v23, v24  }
0x105: {  	v14 =	vmin.f32 v20, v16;
	v24 =	vbroadcast v31, $0x8;
	v31 =	vbroadcast v21, $0x1  }
0x106: {  	v16 =	vbroadcast v35, $0xF;
	v7 =	vmin.f32 v9, v7;
	[tilespmem:$0x1FF40] =	vst v0;
	v0 =	vbroadcast v21, $0x9  }
0x107: {  	v1 =	vmin.f32 v8, v1;
	v8 =	vbroadcast v38, $0xD;
	v9 =	vbroadcast v35, $0xE  }
0x108: {  	v23 =	vmul.f32 v31, v5;
	v31 =	vmul.f32 v32, v5  }
0x109: {  	v7 =	vmin.f32 v14, v7;
	v14 =	vbroadcast v38, $0xE;
	[tilespmem:$0x1FF70] =	vst v0;
	v0 =	vbroadcast v21, $0xA  }
0x10a: {  	v1 =	vmin.f32 v1, v7;
	v7 =	vbroadcast v35, $0xD;
	[tilespmem:$0x1FF90] =	vst v31;
	v31 =	vmul.f32 v34, v5  }
0x10b: {  	v20 =	vmin.f32 v55, v1;
	v1 =	vbroadcast v21, $0x0;
	[tilespmem:$0x1FF80] =	vst v0;
	v0 =	vbroadcast v21, $0xB  }
0x10c: {  	v55 =	vbroadcast v38, $0x7;
	v38 =	vmul.f32 v44, v2;
	[tilespmem:$0x1FFA0] =	vst v31  }
0x10d: {  	v31 =	vmul.f32 v36, v5;
	[tilespmem:$0x1FFB0] =	vst v0;
	v0 =	vbroadcast v21, $0xC  }
0x10e: {  	v36 =	vmul.f32 v42, v2;
	v42 =	vmul.f32 v48, v2  }
0x10f: {  	v48 =	vmul.f32 v54, v2;
	[tilespmem:$0x1FFE0] =	vst v0;
	v0 =	vbroadcast v21, $0xD  }
0x110: {  	v54 =	vmul.f32 v60, v2;
	[tilespmem:$0x1FFC0] =	vst v31;
	v31 =	vmul.f32 v37, v5  }
0x111: {  	v37 =	vmul.f32 v43, v3;
	[tilespmem:$0x1FF50] =	vst v0;
	v0 =	vbroadcast v21, $0xE  }
0x112: {  	v43 =	vmul.f32 v49, v3;
	v49 =	vmul.f32 v55, v3  }
0x113: {  	v55 =	vmul.f32 v61, v3;
	[tilespmem:$0x1FF60] =	vst v0;
	v0 =	vbroadcast v21, $0xF  }
0x114: {  	[tilespmem:$0x1FFD0] =	vst v31;
	v31 =	vmul.f32 v39, v5;
	v39 =	vmul.f32 v45, v3  }
0x115: {  	v21 =	vbroadcast v35, $0x0;
	[tilespmem:$0x1FF30] =	vst v0;
	v0 =	vbroadcast v35, $0xC  }
0x116: {  	v35 =	vmul.f32 v41, v3;
	v41 =	vmul.f32 v47, v3  }
0x117: {  	v47 =	vmul.f32 v53, v3;
	v0 =	vmul.f32 v0, v2  }
0x118: {  	v53 =	vmul.f32 v59, v3;
	v59 =	vadd.f32 v37, v36;
	v37 =	vadd.f32 v55, v54;
	v55 =	vmovc v20;
	v20 =	vld [tilespmem:$0x1FF40]  }
0x119: {  	v60 =	vadd.f32 v39, v38;
	v39 =	vadd.f32 v4, v0;
	v0 =	vld [tilespmem:$0x1FF70];
	_ =	sdelay $0x1  }
0x11a: {  	v34 =	vmul.f32 v21, v2  }
0x11b: {  	v32 =	vmul.f32 v40, v5;
	v40 =	vmul.f32 v46, v2  }
0x11c: {  	v46 =	vmul.f32 v52, v2;
	v52 =	vmul.f32 v58, v2;
	v58 =	vadd.f32 v35, v34  }
0x11d: {  	v34 =	vadd.f32 v49, v48;
	v49 =	vmul.f32 v20, v5;
	v20 =	vmul.f32 v0, v5;
	v0 =	vld [tilespmem:$0x1FF80];
	_ =	sdelay $0x1  }
0x11e: {  	v18 =	vmul.f32 v18, v3  }
0x11f: {  	v16 =	vmul.f32 v16, v2;
	v44 =	vmul.f32 v50, v2  }
0x120: {  	v50 =	vmul.f32 v56, v2;
	v56 =	vmul.f32 v62, v2  }
0x121: {  	v62 =	vadd.f32 v43, v42;
	v42 =	vadd.f32 v18, v16;
	v18 =	vmul.f32 v0, v5;
	v0 =	vld [tilespmem:$0x1FF90];
	_ =	sdelay $0x2  }
0x122: {  	v45 =	vmul.f32 v51, v3  }
0x123: {  	v51 =	vmul.f32 v57, v3  }
0x124: {  	v57 =	vmul.f32 v63, v3;
	v63 =	vadd.f32 v45, v44;
	v45 =	vadd.f32 v0, v60;
	v0 =	vld [tilespmem:$0x1FFA0];
	_ =	sdelay $0x2  }
0x125: {  	v21 =	vadd.f32 v22, v6;
	v61 =	vadd.f32 v41, v40  }
0x126: {  	v22 =	vadd.f32 v24, v6;
	v24 =	vadd.f32 v33, v6  }
0x127: {  	v33 =	vadd.f32 v47, v46;
	v46 =	vadd.f32 v0, v61;
	v0 =	vld [tilespmem:$0x1FFB0];
	_ =	sdelay $0x4  }
0x128: {  	v16 =	vmul.f32 v0, v5;
	v0 =	vld [tilespmem:$0x1FFC0];
	_ =	sdelay $0x3  }
0x129: {  	v10 =	vadd.f32 v10, v6;
	v11 =	vadd.f32 v11, v6  }
0x12a: {  	v12 =	vadd.f32 v12, v6;
	v47 =	vadd.f32 v0, v62;
	v0 =	vld [tilespmem:$0x1FFD0]  }
0x12b: {  	v13 =	vadd.f32 v13, v6;
	v15 =	vadd.f32 v15, v6  }
0x12c: {  	v17 =	vadd.f32 v17, v6;
	v19 =	vadd.f32 v19, v6  }
0x12d: {  	v25 =	vadd.f32 v25, v6;
	v26 =	vadd.f32 v26, v6  }
0x12e: {  	v27 =	vadd.f32 v27, v6;
	v29 =	vadd.f32 v29, v6  }
0x12f: {  	p0 =	sne.s32 s26, $0x3FC0;
	v30 =	vadd.f32 v30, v6;
	v48 =	vadd.f32 v0, v63;
	v0 =	vld [tilespmem:$0x1FFE0]  }
.Ltmp4:
0x130: {  	v28 =	vadd.f32 v28, v6;
	v8 =	vmul.f32 v8, v3;
	v9 =	vmul.f32 v9, v2;
	(pc) =	sbr.rel @p0 .LBB2_11-.Ltmp4, $4  }
0x131: {  	v14 =	vmul.f32 v14, v3;
	v7 =	vmul.f32 v7, v2;
	v38 =	vadd.f32 v57, v56  }
0x132: {  	v1 =	vmul.f32 v1, v5;
	v56 =	vld [tilespmem:$0x1FF30];
	v35 =	vadd.f32 v51, v50;
	v36 =	vadd.f32 v53, v52  }
0x133: {  	v40 =	vadd.f32 v8, v7;
	v8 =	vld [tilespmem:$0x1FF60];
	v41 =	vadd.f32 v14, v9  }
0x134: {  	s26 =	sadd.s32 $0x40, s26;
	v44 =	vadd.f32 v23, v59;
	v4 =	vld [tilespmem:$0x1FF50];
	v43 =	vadd.f32 v1, v58;
	v14 =	vmul.f32 v0, v5  }
0x135: {  	v0 =	vadd.f32 v31, v33;
	v1 =	vadd.f32 v32, v34  }
0x136: {  	v3 =	vadd.f32 v49, v35;
	v54 =	vadd.f32 v20, v36  }
0x137: {  	v7 =	vadd.f32 v18, v37;
	v12 =	vadd.f32 v45, v12  }
0x138: {  	v13 =	vadd.f32 v46, v13;
	v57 =	vadd.f32 v47, v15  }
0x139: {  	v58 =	vadd.f32 v48, v17;
	v9 =	vadd.f32 v14, v39  }
0x13a: {  	v10 =	vadd.f32 v43, v10;
	v11 =	vadd.f32 v44, v11  }
0x13b: {  	v56 =	vmul.f32 v56, v5;
	v0 =	vadd.f32 v0, v19;
	v1 =	vadd.f32 v1, v21  }
0x13c: {  	v3 =	vadd.f32 v3, v22;
	v7 =	vadd.f32 v7, v25;
	v6 =	vmul.f32 v8, v5  }
0x13d: {  	v8 =	vadd.f32 v16, v38;
	v9 =	vadd.f32 v9, v27;
	v2 =	vmul.f32 v4, v5  }
0x13e: {  	v5 =	vadd.f32 v56, v42;
	v4 =	vadd.f32 v54, v24  }
0x13f: {  	v59 =	vmin.f32 v57, v58;
	v6 =	vadd.f32 v6, v41;
	v2 =	vadd.f32 v2, v40  }
0x140: {  	v10 =	vmin.f32 v10, v11;
	v8 =	vadd.f32 v8, v26;
	v5 =	vadd.f32 v5, v28  }
0x141: {  	v11 =	vmin.f32 v12, v13;
	v6 =	vadd.f32 v6, v30;
	v2 =	vadd.f32 v2, v29  }
0x142: {  	v0 =	vmin.f32 v0, v1;
	v63 =	vmin.f32 v10, v11;
	v60 =	vmin.f32 v3, v4  }
0x143: {  	v61 =	vmin.f32 v7, v8;
	v62 =	vmin.f32 v6, v5;
	v2 =	vmin.f32 v9, v2  }
0x144: {  	v0 =	vmin.f32 v59, v0;
	v1 =	vmin.f32 v60, v61;
	v2 =	vmin.f32 v2, v62  }
0x145: {  	s25 =	sadd.s32 $0x1, s25;
	v0 =	vmin.f32 v63, v0;
	v1 =	vmin.f32 v1, v2  }
0x146: {  	p0 =	sne.s32 s25, $0x8;
	v10 =	vld [tilespmem:$0x1FFF0];
	v0 =	vmin.f32 v0, v1  }
.Ltmp5:
0x147: {  	v0 =	vmin.f32 v55, v0;
	(pc) =	sbr.rel @p0 .LBB2_10-.Ltmp5, $3  }
0x148: {  	v0 =	vmax.f32 v0, $0.0e+00  }
0x149: {  	v0 =	vmul.f32 $6.103515630e-05, v0;
	_ =	sdelay $0x1  }
0x14a: {  	v10 =	vadd.f32 v0, v10  }
0x14b: {  	s25 =	simm.s32 $0x0  }
0x14c: {  	[tilespmem:s25], [sflag:$0x1] =	stream.linear.gather [hbm4b:s9+s25], $0x80, $0x38;
	[tilespmem:$0x4280] =	vst v63  }
0x14d: {  	_ =	swait.ge [sflag:s17], $0x80  }
0x14e: {  	[sflag:s17] =	ssyncset.done $0x0  }
0x14f: {  	[sflag:s17] =	ssyncadd.s32 $0xFFFFFF80  }
0x150: {  	[tilespmem:s18], [sflag:$0x1] =	stream.linear.gather [hbm4b:s10+s25], $0x80, $0x38;
	[tilespmem:$0x4280] =	vst v63  }
0x151: {  	_ =	swait.ge [sflag:s17], $0x80  }
0x152: {  	[sflag:s17] =	ssyncset.done $0x0  }
0x153: {  	[sflag:s17] =	ssyncadd.s32 $0xFFFFFF80  }
0x154: {  	[tilespmem:s19], [sflag:$0x1] =	stream.linear.gather [hbm4b:s11+s25], $0x80, $0x38;
	[tilespmem:$0x4280] =	vst v63  }
0x155: {  	_ =	swait.ge [sflag:s17], $0x80  }
0x156: {  	[sflag:s17] =	ssyncset.done $0x0  }
0x157: {  	[sflag:s17] =	ssyncadd.s32 $0xFFFFFF80  }
0x158: {  	[tilespmem:s20], [sflag:$0x1] =	stream.linear.gather [hbm4b:s12+s25], $0x1000, $0x38;
	[tilespmem:$0x4280] =	vst v63  }
0x159: {  	_ =	swait.ge [sflag:s17], $0x1000  }
0x15a: {  	[sflag:s17] =	ssyncset.done $0x0  }
0x15b: {  	[sflag:s17] =	ssyncadd.s32 $0xFFFFF000  }
0x15c: {  	[tilespmem:s21], [sflag:$0x1] =	stream.linear.gather [hbm4b:s13+s25], $0x1000, $0x38;
	[tilespmem:$0x4280] =	vst v63  }
0x15d: {  	_ =	swait.ge [sflag:s17], $0x1000  }
0x15e: {  	[sflag:s17] =	ssyncset.done $0x0  }
0x15f: {  	[sflag:s17] =	ssyncadd.s32 $0xFFFFF000  }
0x160: {  	[tilespmem:s22], [sflag:$0x1] =	stream.linear.gather [hbm4b:s14+s25], $0x1000, $0x38;
	[tilespmem:$0x4280] =	vst v63  }
0x161: {  	_ =	swait.ge [sflag:s17], $0x1000  }
0x162: {  	[sflag:s17] =	ssyncset.done $0x0  }
0x163: {  	v0 =	vimm.f32 $0.0e+00;
	[sflag:s17] =	ssyncadd.s32 $0xFFFFF000  }
0x164: {  	[tilespmem:$0x180] =	vst v0  }
0x165: {  	[tilespmem:$0x190] =	vst v0  }
0x166: {  	[tilespmem:$0x1A0] =	vst v0  }
0x167: {  	[tilespmem:$0x1B0] =	vst v0  }
0x168: {  	[tilespmem:$0x1C0] =	vst v0  }
0x169: {  	[tilespmem:$0x1D0] =	vst v0  }
0x16a: {  	[tilespmem:$0x1E0] =	vst v0  }
0x16b: {  	s26 =	simm.s32 $0x0;
	s25 =	simm.s32 $0x40;
	[tilespmem:$0x1F0] =	vst v0  }
.LBB2_14:
0x16c: {  	p0 =	sne.s32 s25, $0x3FC0;
	[tilespmem:s26+$0x3200] =	vst v0;
	s26 =	smov.u32 s25;
	s25 =	sadd.s32 $0x40, s25  }
.Ltmp6:
0x16d: {  	(pc) =	sbr.rel @p0 .LBB2_14-.Ltmp6, $2  }
0x16e: {  	_ =	sdelay $0x2  }
0x16f: {  	s26 =	sshra.s32 s26, $0x2  }
0x170: {  	[tilespmem:s26+$0x3200] =	vst v0  }
0x171: {  	v0 =	vld [tilespmem:$0x0]  }
0x172: {  	v1 =	vld [tilespmem:$0x180]  }
0x173: {  	v2 =	vld [tilespmem:$0x10]  }
0x174: {  	v3 =	vld [tilespmem:$0x190]  }
0x175: {  	v4 =	vld [tilespmem:$0x20]  }
0x176: {  	v6 =	vld [tilespmem:$0x1A0];
	v5 =	vmul.f32 v0, v0  }
0x177: {  	v7 =	vld [tilespmem:$0x30];
	v0 =	vmul.f32 $-2.000000000e+00, v0  }
0x178: {  	v8 =	vld [tilespmem:$0x1B0];
	v39 =	vmul.f32 v2, v2;
	v1 =	vadd.f32 v5, v1  }
0x179: {  	v9 =	vld [tilespmem:$0x40];
	[tilespmem:$0x0] =	vst v0;
	v0 =	vmul.f32 $-2.000000000e+00, v2  }
0x17a: {  	v40 =	vld [tilespmem:$0x1C0];
	[tilespmem:$0x180] =	vst v1;
	v1 =	vadd.f32 v39, v3;
	v3 =	vmul.f32 v4, v4  }
0x17b: {  	v2 =	vld [tilespmem:$0x50];
	[tilespmem:$0x10] =	vst v0;
	v0 =	vmul.f32 $-2.000000000e+00, v4  }
0x17c: {  	v41 =	vld [tilespmem:$0x1D0];
	[tilespmem:$0x190] =	vst v1;
	v1 =	vadd.f32 v3, v6;
	v3 =	vmul.f32 v7, v7  }
0x17d: {  	v42 =	vld [tilespmem:$0x60];
	[tilespmem:$0x20] =	vst v0;
	v0 =	vmul.f32 $-2.000000000e+00, v7  }
0x17e: {  	v43 =	vld [tilespmem:$0x70];
	[tilespmem:$0x1A0] =	vst v1;
	v1 =	vadd.f32 v3, v8;
	v3 =	vmul.f32 v9, v9  }
0x17f: {  	v8 =	vld [tilespmem:$0x1E0];
	[tilespmem:$0x30] =	vst v0;
	v0 =	vmul.f32 $-2.000000000e+00, v9  }
0x180: {  	v44 =	vld [tilespmem:$0x1F0];
	[tilespmem:$0x1B0] =	vst v1;
	v1 =	vadd.f32 v3, v40;
	v3 =	vmul.f32 v2, v2  }
0x181: {  	v9 =	vld [tilespmem:$0x80];
	[tilespmem:$0x40] =	vst v0;
	v0 =	vmul.f32 $-2.000000000e+00, v2  }
0x182: {  	v45 =	vld [tilespmem:$0x180];
	[tilespmem:$0x1C0] =	vst v1;
	v1 =	vadd.f32 v3, v41;
	v3 =	vmul.f32 v42, v42  }
0x183: {  	v2 =	vld [tilespmem:$0x90];
	[tilespmem:$0x50] =	vst v0;
	v0 =	vmul.f32 $-2.000000000e+00, v42  }
0x184: {  	v46 =	vld [tilespmem:$0xA0];
	[tilespmem:$0x1D0] =	vst v1;
	v1 =	vadd.f32 v3, v8;
	v3 =	vmul.f32 v43, v43  }
0x185: {  	v8 =	vld [tilespmem:$0x190];
	[tilespmem:$0x60] =	vst v0;
	v0 =	vmul.f32 $-2.000000000e+00, v43  }
0x186: {  	v48 =	vld [tilespmem:$0xB0];
	[tilespmem:$0x1E0] =	vst v1;
	v1 =	vadd.f32 v3, v44;
	v3 =	vmul.f32 v9, v9  }
0x187: {  	v47 =	vld [tilespmem:$0x1A0];
	[tilespmem:$0x70] =	vst v0;
	v0 =	vmul.f32 $-2.000000000e+00, v9  }
0x188: {  	v49 =	vld [tilespmem:$0x1B0];
	[tilespmem:$0x1F0] =	vst v1;
	v1 =	vadd.f32 v3, v45;
	v3 =	vmul.f32 v2, v2  }
0x189: {  	v9 =	vld [tilespmem:$0xC0];
	[tilespmem:$0x80] =	vst v0;
	v0 =	vmul.f32 $-2.000000000e+00, v2  }
0x18a: {  	v2 =	vld [tilespmem:$0xD0];
	[tilespmem:$0x180] =	vst v1;
	v1 =	vadd.f32 v3, v8;
	v3 =	vmul.f32 v46, v46  }
0x18b: {  	v8 =	vld [tilespmem:$0x1C0];
	[tilespmem:$0x90] =	vst v0;
	v0 =	vmul.f32 $-2.000000000e+00, v46  }
0x18c: {  	v51 =	vld [tilespmem:$0xE0];
	[tilespmem:$0x190] =	vst v1;
	v1 =	vadd.f32 v3, v47;
	v3 =	vmul.f32 v48, v48  }
0x18d: {  	v50 =	vld [tilespmem:$0x1D0];
	[tilespmem:$0xA0] =	vst v0;
	v0 =	vmul.f32 $-2.000000000e+00, v48  }
0x18e: {  	v53 =	vld [tilespmem:$0xF0];
	[tilespmem:$0x1A0] =	vst v1;
	v1 =	vadd.f32 v3, v49;
	v3 =	vmul.f32 v9, v9  }
0x18f: {  	v52 =	vld [tilespmem:$0x1E0];
	[tilespmem:$0xB0] =	vst v0;
	v0 =	vmul.f32 $-2.000000000e+00, v9  }
0x190: {  	v9 =	vld [tilespmem:$0x100];
	[tilespmem:$0x1B0] =	vst v1;
	v1 =	vadd.f32 v3, v8;
	v3 =	vmul.f32 v2, v2  }
0x191: {  	v8 =	vld [tilespmem:$0x1F0];
	[tilespmem:$0xC0] =	vst v0;
	v0 =	vmul.f32 $-2.000000000e+00, v2  }
0x192: {  	v54 =	vld [tilespmem:$0x180];
	[tilespmem:$0x1C0] =	vst v1;
	v1 =	vadd.f32 v3, v50;
	v3 =	vmul.f32 v51, v51  }
0x193: {  	v2 =	vld [tilespmem:$0x110];
	[tilespmem:$0xD0] =	vst v0;
	v0 =	vmul.f32 $-2.000000000e+00, v51  }
0x194: {  	v56 =	vld [tilespmem:$0x120];
	[tilespmem:$0x1D0] =	vst v1;
	v1 =	vadd.f32 v3, v52;
	v3 =	vmul.f32 v53, v53  }
0x195: {  	v55 =	vld [tilespmem:$0x190];
	[tilespmem:$0xE0] =	vst v0;
	v0 =	vmul.f32 $-2.000000000e+00, v53  }
0x196: {  	v57 =	vld [tilespmem:$0x130];
	[tilespmem:$0x1E0] =	vst v1;
	v1 =	vadd.f32 v3, v8;
	v3 =	vmul.f32 v9, v9  }
0x197: {  	v8 =	vld [tilespmem:$0x1A0];
	[tilespmem:$0xF0] =	vst v0;
	v0 =	vmul.f32 $-2.000000000e+00, v9  }
0x198: {  	v58 =	vld [tilespmem:$0x1B0];
	[tilespmem:$0x1F0] =	vst v1;
	v1 =	vadd.f32 v3, v54;
	v3 =	vmul.f32 v2, v2  }
0x199: {  	v9 =	vld [tilespmem:$0x140];
	[tilespmem:$0x100] =	vst v0;
	v0 =	vmul.f32 $-2.000000000e+00, v2  }
0x19a: {  	v59 =	vld [tilespmem:$0x1C0];
	[tilespmem:$0x180] =	vst v1;
	v1 =	vadd.f32 v3, v55;
	v3 =	vmul.f32 v56, v56  }
0x19b: {  	v2 =	vld [tilespmem:$0x150];
	[tilespmem:$0x110] =	vst v0;
	v0 =	vmul.f32 $-2.000000000e+00, v56  }
0x19c: {  	v60 =	vld [tilespmem:$0x160];
	[tilespmem:$0x190] =	vst v1;
	v1 =	vadd.f32 v3, v8;
	v3 =	vmul.f32 v57, v57  }
0x19d: {  	v8 =	vld [tilespmem:$0x1D0];
	[tilespmem:$0x120] =	vst v0;
	v0 =	vmul.f32 $-2.000000000e+00, v57  }
0x19e: {  	v62 =	vld [tilespmem:$0x170];
	[tilespmem:$0x1A0] =	vst v1;
	v1 =	vadd.f32 v3, v58;
	v3 =	vmul.f32 v9, v9  }
0x19f: {  	v61 =	vld [tilespmem:$0x1E0];
	[tilespmem:$0x130] =	vst v0;
	v0 =	vmul.f32 $-2.000000000e+00, v9  }
0x1a0: {  	[tilespmem:$0x1B0] =	vst v1;
	v1 =	vadd.f32 v3, v59;
	v3 =	vmul.f32 v2, v2  }
0x1a1: {  	v63 =	vld [tilespmem:$0x1F0];
	[tilespmem:$0x140] =	vst v0;
	v0 =	vmul.f32 $-2.000000000e+00, v2  }
0x1a2: {  	[tilespmem:$0x1C0] =	vst v1;
	v1 =	vadd.f32 v3, v8;
	v3 =	vmul.f32 v60, v60  }
0x1a3: {  	[tilespmem:$0x150] =	vst v0;
	v0 =	vmul.f32 $-2.000000000e+00, v60  }
0x1a4: {  	v2 =	vmul.f32 v62, v62;
	[tilespmem:$0x1D0] =	vst v1;
	v1 =	vadd.f32 v3, v61  }
0x1a5: {  	[tilespmem:$0x160] =	vst v0;
	v0 =	vmul.f32 $-2.000000000e+00, v62  }
0x1a6: {  	[tilespmem:$0x1E0] =	vst v1;
	v1 =	vadd.f32 v2, v63  }
0x1a7: {  	[tilespmem:$0x170] =	vst v0  }
0x1a8: {  	s25 =	simm.s32 $0x0;
	[tilespmem:$0x1F0] =	vst v1  }
0x1a9: {  	v0 =	vld [tilespmem:s25+$0x200];
	_ =	sdelay $0x1  }
0x1aa: {  	v1 =	vld [tilespmem:s25+$0x3200];
	_ =	sdelay $0x2  }
0x1ab: {  	v0 =	vmul.f32 v0, v0;
	_ =	sdelay $0x1  }
0x1ac: {  	s29 =	simm.s32 $0x10;
	s26 =	simm.s32 $0x80;
	s28 =	simm.s32 $0x0;
	v2 =	vadd.f32 v0, v1  }
.LBB2_16:
0x1ad: {  	p0 =	sne.s32 s26, $0x3FC0;
	v0 =	vld [tilespmem:s29+$0x200]  }
0x1ae: {  	[tilespmem:s28+$0x3200] =	vst v2;
	s28 =	smov.u32 s29  }
0x1af: {  	v1 =	vld [tilespmem:s28+$0x3200]  }
.Ltmp7:
0x1b0: {  	(pc) =	sbr.rel @p0 .LBB2_16-.Ltmp7, $3  }
0x1b1: {  	_ = 	snop  }
0x1b2: {  	v0 =	vmul.f32 v0, v0;
	_ =	sdelay $0x1  }
0x1b3: {  	s29 =	sshra.s32 s26, $0x2;
	s26 =	sadd.s32 $0x40, s26;
	v2 =	vadd.f32 v0, v1  }
0x1b4: {  	v0 =	vld [tilespmem:s29+$0x200]  }
0x1b5: {  	[tilespmem:s28+$0x3200] =	vst v2  }
0x1b6: {  	v1 =	vld [tilespmem:s29+$0x3200];
	_ =	sdelay $0x2  }
0x1b7: {  	v0 =	vmul.f32 v0, v0;
	_ =	sdelay $0x1  }
0x1b8: {  	v0 =	vadd.f32 v0, v1;
	_ =	sdelay $0x1  }
0x1b9: {  	[tilespmem:s29+$0x3200] =	vst v0  }
0x1ba: {  	v0 =	vld [tilespmem:s25+$0x1200];
	_ =	sdelay $0x1  }
0x1bb: {  	v1 =	vld [tilespmem:s25+$0x3200];
	_ =	sdelay $0x2  }
0x1bc: {  	v0 =	vmul.f32 v0, v0;
	_ =	sdelay $0x1  }
0x1bd: {  	s26 =	simm.s32 $0x80;
	s28 =	simm.s32 $0x10;
	v2 =	vadd.f32 v0, v1  }
.LBB2_18:
0x1be: {  	p0 =	sne.s32 s26, $0x3FC0;
	v0 =	vld [tilespmem:s28+$0x1200]  }
0x1bf: {  	[tilespmem:s25+$0x3200] =	vst v2;
	s25 =	smov.u32 s28  }
0x1c0: {  	v1 =	vld [tilespmem:s25+$0x3200]  }
.Ltmp8:
0x1c1: {  	(pc) =	sbr.rel @p0 .LBB2_18-.Ltmp8, $3  }
0x1c2: {  	_ = 	snop  }
0x1c3: {  	v0 =	vmul.f32 v0, v0;
	_ =	sdelay $0x1  }
0x1c4: {  	s28 =	sshra.s32 s26, $0x2;
	s26 =	sadd.s32 $0x40, s26;
	v2 =	vadd.f32 v0, v1  }
0x1c5: {  	v0 =	vld [tilespmem:s28+$0x1200]  }
0x1c6: {  	[tilespmem:s25+$0x3200] =	vst v2  }
0x1c7: {  	v1 =	vld [tilespmem:s28+$0x3200];
	_ =	sdelay $0x2  }
0x1c8: {  	v0 =	vmul.f32 v0, v0;
	_ =	sdelay $0x1  }
0x1c9: {  	v0 =	vadd.f32 v0, v1;
	_ =	sdelay $0x1  }
0x1ca: {  	s26 =	simm.s32 $0x0;
	[tilespmem:s28+$0x3200] =	vst v0  }
0x1cb: {  	v0 =	vld [tilespmem:s26+$0x2200];
	_ =	sdelay $0x1  }
0x1cc: {  	v1 =	vld [tilespmem:s26+$0x3200];
	_ =	sdelay $0x2  }
0x1cd: {  	v0 =	vmul.f32 v0, v0;
	_ =	sdelay $0x1  }
0x1ce: {  	s29 =	simm.s32 $0x10;
	s25 =	simm.s32 $0x0;
	s28 =	simm.s32 $0x80;
	v2 =	vadd.f32 v0, v1  }
.LBB2_20:
0x1cf: {  	p0 =	sne.s32 s28, $0x3FC0;
	v0 =	vld [tilespmem:s29+$0x2200]  }
0x1d0: {  	[tilespmem:s26+$0x3200] =	vst v2;
	s26 =	smov.u32 s29  }
0x1d1: {  	v1 =	vld [tilespmem:s26+$0x3200]  }
.Ltmp9:
0x1d2: {  	(pc) =	sbr.rel @p0 .LBB2_20-.Ltmp9, $3  }
0x1d3: {  	_ = 	snop  }
0x1d4: {  	v0 =	vmul.f32 v0, v0;
	_ =	sdelay $0x1  }
0x1d5: {  	s29 =	sshra.s32 s28, $0x2;
	s28 =	sadd.s32 $0x40, s28;
	v2 =	vadd.f32 v0, v1  }
0x1d6: {  	v0 =	vld [tilespmem:s29+$0x2200]  }
0x1d7: {  	[tilespmem:s26+$0x3200] =	vst v2  }
0x1d8: {  	v1 =	vld [tilespmem:s29+$0x3200];
	_ =	sdelay $0x2  }
0x1d9: {  	v0 =	vmul.f32 v0, v0;
	_ =	sdelay $0x1  }
0x1da: {  	v0 =	vadd.f32 v0, v1;
	_ =	sdelay $0x1  }
0x1db: {  	[tilespmem:s29+$0x3200] =	vst v0  }
.LBB2_22:
0x1dc: {  	s26 =	simm.s32 $0x0  }
0x1dd: {  	v0 =	vld [tilespmem:s26+$0x3200];
	_ =	sdelay $0x4  }
0x1de: {  	v1 =	vbroadcast v0, $0x0;
	v9 =	vbroadcast v0, $0x1  }
0x1df: {  	v12 =	vbroadcast v0, $0x2;
	v8 =	vbroadcast v0, $0x3  }
0x1e0: {  	v7 =	vbroadcast v0, $0x4;
	v17 =	vbroadcast v0, $0x5  }
0x1e1: {  	v25 =	vld [tilespmem:s26+$0x2200];
	v19 =	vbroadcast v0, $0x6;
	v21 =	vbroadcast v0, $0x7  }
0x1e2: {  	v22 =	vbroadcast v0, $0x8;
	v24 =	vbroadcast v0, $0x9  }
0x1e3: {  	v16 =	vbroadcast v0, $0xA;
	v18 =	vbroadcast v0, $0xB  }
0x1e4: {  	v4 =	vld [tilespmem:s26+$0x200];
	v20 =	vbroadcast v0, $0xC;
	v28 =	vbroadcast v0, $0xD  }
0x1e5: {  	v5 =	vld [tilespmem:s26+$0x1200];
	v61 =	vbroadcast v0, $0xE;
	v14 =	vbroadcast v0, $0xF  }
0x1e6: {  	[tilespmem:$0x1FFF0] =	vst v10;
	v0 =	vbroadcast v25, $0x0;
	v10 =	vbroadcast v25, $0x1  }
0x1e7: {  	v11 =	vbroadcast v25, $0x2;
	v13 =	vbroadcast v25, $0x3  }
0x1e8: {  	v15 =	vbroadcast v25, $0x4;
	v26 =	vbroadcast v25, $0x5  }
0x1e9: {  	v27 =	vbroadcast v25, $0x6;
	v6 =	vbroadcast v4, $0x0  }
0x1ea: {  	v29 =	vbroadcast v5, $0x0;
	v30 =	vbroadcast v4, $0x1  }
0x1eb: {  	v31 =	vbroadcast v5, $0x1;
	v32 =	vbroadcast v4, $0x2  }
0x1ec: {  	v33 =	vbroadcast v5, $0x2;
	v34 =	vbroadcast v4, $0x3  }
0x1ed: {  	v35 =	vbroadcast v5, $0x3;
	v36 =	vbroadcast v4, $0x4  }
0x1ee: {  	v37 =	vbroadcast v5, $0x4;
	v38 =	vbroadcast v4, $0x5  }
0x1ef: {  	v39 =	vbroadcast v5, $0x5;
	v40 =	vbroadcast v4, $0x6  }
0x1f0: {  	v41 =	vbroadcast v5, $0x6;
	v42 =	vbroadcast v4, $0x7  }
0x1f1: {  	v43 =	vbroadcast v5, $0x7;
	v44 =	vbroadcast v4, $0x8  }
0x1f2: {  	v45 =	vbroadcast v5, $0x8;
	v46 =	vbroadcast v4, $0x9  }
0x1f3: {  	s31 =	sshll.u32 s25, $0x4;
	v47 =	vbroadcast v5, $0x9;
	v48 =	vbroadcast v4, $0xA  }
0x1f4: {  	v2 =	vld [tilespmem:s31+$0x0];
	v49 =	vbroadcast v5, $0xA;
	v50 =	vbroadcast v4, $0xB  }
0x1f5: {  	v3 =	vld [tilespmem:s31+$0x80];
	v51 =	vbroadcast v5, $0xB;
	v52 =	vbroadcast v4, $0xC  }
0x1f6: {  	v53 =	vbroadcast v5, $0xC;
	v54 =	vbroadcast v4, $0xD  }
0x1f7: {  	v55 =	vbroadcast v5, $0xD;
	v56 =	vbroadcast v4, $0xE  }
0x1f8: {  	v57 =	vbroadcast v5, $0xE;
	v4 =	vbroadcast v4, $0xF  }
0x1f9: {  	v58 =	vbroadcast v5, $0xF;
	v23 =	vbroadcast v25, $0xD  }
0x1fa: {  	v5 =	vmul.f32 v6, v2;
	v6 =	vmul.f32 v29, v3  }
0x1fb: {  	v29 =	vmul.f32 v30, v2;
	v30 =	vmul.f32 v31, v3  }
0x1fc: {  	v31 =	vmul.f32 v32, v2;
	v63 =	vmul.f32 v33, v3  }
0x1fd: {  	v37 =	vmul.f32 v37, v3;
	v32 =	vmul.f32 v38, v2  }
0x1fe: {  	v42 =	vmul.f32 v42, v2;
	v43 =	vmul.f32 v43, v3  }
0x1ff: {  	v44 =	vmul.f32 v44, v2;
	v45 =	vmul.f32 v45, v3  }
0x200: {  	v48 =	vmul.f32 v48, v2;
	v49 =	vmul.f32 v49, v3  }
0x201: {  	v50 =	vmul.f32 v50, v2;
	v51 =	vmul.f32 v51, v3  }
0x202: {  	v53 =	vmul.f32 v53, v3;
	v54 =	vmul.f32 v54, v2  }
0x203: {  	v59 =	vadd.f32 v6, v5;
	v5 =	vmul.f32 v34, v2;
	v6 =	vmul.f32 v35, v3  }
0x204: {  	v55 =	vmul.f32 v55, v3;
	v62 =	vmul.f32 v56, v2  }
0x205: {  	v60 =	vadd.f32 v6, v5;
	v5 =	vmul.f32 v40, v2;
	v6 =	vmul.f32 v41, v3  }
0x206: {  	v29 =	vadd.f32 v30, v29;
	v30 =	vmul.f32 v36, v2;
	v31 =	vadd.f32 v63, v31  }
0x207: {  	v33 =	vadd.f32 v6, v5;
	v5 =	vmul.f32 v46, v2;
	v6 =	vmul.f32 v47, v3  }
0x208: {  	v34 =	vmul.f32 v39, v3;
	v35 =	vadd.f32 v45, v44;
	v38 =	vadd.f32 v51, v50  }
0x209: {  	v63 =	vmul.f32 v57, v3;
	v51 =	vmul.f32 v4, v2;
	v36 =	vadd.f32 v6, v5;
	v5 =	vld [tilespmem:s31+$0x100]  }
0x20a: {  	v57 =	vmul.f32 v58, v3;
	v30 =	vadd.f32 v37, v30;
	v6 =	vmul.f32 v52, v2  }
0x20b: {  	v58 =	vbroadcast v25, $0x8;
	v32 =	vadd.f32 v34, v32;
	v34 =	vadd.f32 v43, v42  }
0x20c: {  	v37 =	vadd.f32 v49, v48;
	v49 =	vbroadcast v25, $0x7;
	v39 =	vadd.f32 v53, v6;
	v6 =	vld [tilespmem:s31+$0x180]  }
0x20d: {  	v40 =	vadd.f32 v55, v54;
	v41 =	vadd.f32 v63, v62;
	v62 =	vbroadcast v25, $0xB  }
0x20e: {  	v54 =	vimm.f32 $+Inf;
	v0 =	vmul.f32 v0, v5;
	v10 =	vmul.f32 v10, v5  }
0x20f: {  	v42 =	vadd.f32 v57, v51;
	v63 =	vbroadcast v25, $0xC;
	v11 =	vmul.f32 v11, v5  }
0x210: {  	v13 =	vmul.f32 v13, v5;
	v43 =	vadd.f32 v0, v59;
	v44 =	vadd.f32 v10, v29  }
0x211: {  	v55 =	vbroadcast v25, $0xF;
	v45 =	vadd.f32 v11, v31;
	v10 =	vadd.f32 v1, v6  }
0x212: {  	v0 =	vbroadcast v25, $0x9;
	v11 =	vadd.f32 v9, v6;
	v46 =	vadd.f32 v13, v60  }
0x213: {  	v59 =	vbroadcast v25, $0xA;
	v12 =	vadd.f32 v12, v6;
	v13 =	vadd.f32 v8, v6  }
0x214: {  	v1 =	vmul.f32 v15, v5;
	v17 =	vadd.f32 v17, v6;
	v19 =	vadd.f32 v19, v6  }
0x215: {  	v15 =	vmul.f32 v26, v5;
	v21 =	vadd.f32 v21, v6;
	v22 =	vadd.f32 v22, v6  }
0x216: {  	v8 =	vbroadcast v25, $0xE;
	v24 =	vadd.f32 v24, v6;
	v25 =	vadd.f32 v16, v6  }
0x217: {  	v31 =	vmul.f32 v27, v5;
	v26 =	vadd.f32 v18, v6;
	v27 =	vadd.f32 v20, v6  }
0x218: {  	v29 =	vadd.f32 v28, v6;
	v28 =	vadd.f32 v14, v6;
	v16 =	vmul.f32 v62, v5  }
0x219: {  	v14 =	vmul.f32 v63, v5;
	v47 =	vadd.f32 v1, v30;
	v48 =	vadd.f32 v15, v32  }
0x21a: {  	v15 =	vadd.f32 v7, v6;
	v32 =	vmul.f32 v49, v5;
	v49 =	vmul.f32 v58, v5  }
0x21b: {  	s26 =	simm.s32 $0x40;
	v30 =	vadd.f32 v61, v6;
	v20 =	vmul.f32 v0, v5;
	v18 =	vmul.f32 v59, v5  }
.LBB2_23:
0x21c: {  	v0 =	vadd.f32 v31, v33  }
0x21d: {  	v1 =	vadd.f32 v32, v34;
	v18 =	vadd.f32 v18, v37  }
0x21e: {  	s28 =	sshra.s32 s26, $0x2;
	v16 =	vadd.f32 v16, v38;
	v14 =	vadd.f32 v14, v39  }
0x21f: {  	v9 =	vmul.f32 v23, v5;
	v23 =	vld [tilespmem:s28+$0x3200];
	v58 =	vadd.f32 v43, v10;
	v59 =	vadd.f32 v44, v11  }
0x220: {  	v60 =	vadd.f32 v45, v12;
	v61 =	vadd.f32 v46, v13  }
0x221: {  	v62 =	vadd.f32 v47, v15;
	v63 =	vadd.f32 v48, v17  }
0x222: {  	v9 =	vadd.f32 v9, v40;
	v0 =	vadd.f32 v0, v19  }
0x223: {  	v1 =	vadd.f32 v1, v21;
	v18 =	vadd.f32 v18, v25;
	v8 =	vmul.f32 v8, v5  }
0x224: {  	v16 =	vadd.f32 v16, v26;
	v7 =	vmul.f32 v55, v5;
	v10 =	vbroadcast v23, $0x0  }
0x225: {  	v37 =	vld [tilespmem:s28+$0x1200];
	v14 =	vadd.f32 v14, v27;
	v11 =	vbroadcast v23, $0x1;
	v12 =	vbroadcast v23, $0x2  }
0x226: {  	v34 =	vld [tilespmem:s28+$0x200];
	v25 =	vmin.f32 v62, v63;
	v13 =	vbroadcast v23, $0x3;
	v15 =	vbroadcast v23, $0x4  }
0x227: {  	v0 =	vmin.f32 v0, v1;
	v17 =	vbroadcast v23, $0x5;
	v19 =	vbroadcast v23, $0x6  }
0x228: {  	v0 =	vmin.f32 v25, v0;
	v33 =	vbroadcast v23, $0x9;
	v25 =	vbroadcast v23, $0xA  }
0x229: {  	v9 =	vadd.f32 v9, v29;
	v26 =	vbroadcast v23, $0xB;
	v27 =	vbroadcast v23, $0xC  }
0x22a: {  	v8 =	vadd.f32 v8, v41;
	v29 =	vbroadcast v23, $0xD;
	v40 =	vbroadcast v37, $0x0  }
0x22b: {  	v7 =	vadd.f32 v7, v42;
	v41 =	vbroadcast v34, $0x1;
	v42 =	vbroadcast v37, $0x1  }
0x22c: {  	v31 =	vadd.f32 v49, v35;
	v43 =	vbroadcast v34, $0x2;
	v44 =	vbroadcast v37, $0x2  }
0x22d: {  	v20 =	vadd.f32 v20, v36;
	v45 =	vbroadcast v34, $0x3;
	v46 =	vbroadcast v37, $0x3  }
0x22e: {  	v21 =	vadd.f32 v31, v22;
	v47 =	vbroadcast v34, $0x4;
	v48 =	vbroadcast v37, $0x4  }
0x22f: {  	v20 =	vadd.f32 v20, v24;
	v49 =	vbroadcast v34, $0x5;
	v50 =	vbroadcast v37, $0x5  }
0x230: {  	v22 =	vmin.f32 v58, v59;
	v51 =	vbroadcast v34, $0x6;
	v52 =	vbroadcast v37, $0x6  }
0x231: {  	v1 =	vmin.f32 v21, v20;
	v21 =	vld [tilespmem:s28+$0x2200];
	v53 =	vbroadcast v34, $0x7;
	v55 =	vbroadcast v34, $0x8  }
0x232: {  	v24 =	vmin.f32 v60, v61;
	v56 =	vbroadcast v37, $0x8;
	v57 =	vbroadcast v34, $0x9  }
0x233: {  	v16 =	vmin.f32 v18, v16;
	v58 =	vbroadcast v37, $0x9;
	v59 =	vbroadcast v34, $0xA  }
0x234: {  	v9 =	vmin.f32 v14, v9;
	v60 =	vbroadcast v37, $0xA;
	v61 =	vbroadcast v34, $0xB  }
0x235: {  	v62 =	vbroadcast v37, $0xB;
	v8 =	vadd.f32 v8, v30;
	v7 =	vadd.f32 v7, v28  }
0x236: {  	v1 =	vmin.f32 v1, v16;
	v14 =	vbroadcast v37, $0xE;
	v4 =	vbroadcast v21, $0x8  }
0x237: {  	v16 =	vbroadcast v34, $0xF;
	v18 =	vbroadcast v37, $0xF;
	v7 =	vmin.f32 v8, v7  }
0x238: {  	v8 =	vmin.f32 v22, v24;
	v7 =	vmin.f32 v9, v7;
	[tilespmem:$0x1FE80] =	vst v4;
	v4 =	vbroadcast v21, $0x9  }
0x239: {  	v31 =	vbroadcast v21, $0x2;
	v0 =	vmin.f32 v8, v0;
	v1 =	vmin.f32 v1, v7  }
0x23a: {  	v32 =	vbroadcast v21, $0x3;
	v0 =	vmin.f32 v0, v1;
	[tilespmem:$0x1FEA0] =	vst v4;
	v4 =	vbroadcast v21, $0xA  }
0x23b: {  	v35 =	vbroadcast v21, $0x4;
	v20 =	vmin.f32 v54, v0;
	v0 =	vbroadcast v21, $0x0  }
0x23c: {  	v36 =	vbroadcast v21, $0x5;
	[tilespmem:$0x1FEC0] =	vst v4;
	v4 =	vbroadcast v21, $0xB  }
0x23d: {  	v39 =	vbroadcast v21, $0x7;
	v0 =	vmul.f32 v0, v5  }
0x23e: {  	v8 =	vbroadcast v37, $0xD;
	[tilespmem:$0x1FEF0] =	vst v4;
	v4 =	vbroadcast v21, $0xC  }
0x23f: {  	v1 =	vbroadcast v21, $0x1;
	[tilespmem:$0x1FEB0] =	vst v0;
	v0 =	vmul.f32 v31, v5  }
0x240: {  	v54 =	vbroadcast v37, $0x7;
	[tilespmem:$0x1FF20] =	vst v4;
	v4 =	vbroadcast v21, $0xE  }
0x241: {  	v1 =	vmul.f32 v1, v5;
	[tilespmem:$0x1FED0] =	vst v0;
	v0 =	vmul.f32 v32, v5  }
0x242: {  	v32 =	vmul.f32 v39, v5;
	[tilespmem:$0x1FE90] =	vst v4;
	v4 =	vbroadcast v21, $0xF  }
0x243: {  	v39 =	vmul.f32 v44, v3;
	[tilespmem:$0x1FEE0] =	vst v0;
	v0 =	vmul.f32 v35, v5  }
0x244: {  	v44 =	vmul.f32 v49, v2;
	v35 =	vmul.f32 v40, v3;
	[tilespmem:$0x1FE70] =	vst v4  }
0x245: {  	v4 =	vbroadcast v37, $0xC;
	[tilespmem:$0x1FF00] =	vst v0;
	v0 =	vmul.f32 v36, v5  }
0x246: {  	v36 =	vmul.f32 v41, v2;
	v37 =	vmul.f32 v42, v3  }
0x247: {  	v40 =	vmul.f32 v45, v2;
	v45 =	vmul.f32 v50, v3  }
0x248: {  	v50 =	vmul.f32 v55, v2;
	v55 =	vmul.f32 v60, v3;
	v60 =	vadd.f32 v37, v36  }
0x249: {  	v63 =	vbroadcast v34, $0xC;
	v38 =	vbroadcast v21, $0x6  }
0x24a: {  	v16 =	vmul.f32 v16, v2;
	[tilespmem:$0x1FF10] =	vst v0;
	v0 =	vadd.f32 v45, v44;
	v44 =	vadd.f32 v1, v60;
	v1 =	vld [tilespmem:$0x1FEC0]  }
0x24b: {  	v18 =	vmul.f32 v18, v3;
	v31 =	vmul.f32 v38, v5  }
0x24c: {  	v38 =	vmul.f32 v43, v2;
	v43 =	vmul.f32 v48, v3  }
0x24d: {  	v48 =	vmul.f32 v53, v2;
	v42 =	vmul.f32 v47, v2  }
0x24e: {  	v53 =	vmul.f32 v58, v3;
	v58 =	vmul.f32 v63, v2  }
0x24f: {  	v63 =	vadd.f32 v43, v42;
	v42 =	vadd.f32 v18, v16;
	v18 =	vmul.f32 v1, v5;
	v1 =	vld [tilespmem:$0x1FED0]  }
0x250: {  	v30 =	vbroadcast v23, $0xE;
	v28 =	vbroadcast v23, $0xF  }
0x251: {  	v41 =	vmul.f32 v46, v3;
	v46 =	vmul.f32 v51, v2  }
0x252: {  	v51 =	vmul.f32 v56, v3;
	v56 =	vmul.f32 v61, v2;
	v61 =	vadd.f32 v39, v38  }
0x253: {  	v22 =	vbroadcast v23, $0x7;
	v24 =	vbroadcast v23, $0x8  }
0x254: {  	v23 =	vbroadcast v21, $0xD;
	v21 =	vbroadcast v34, $0x0;
	v45 =	vadd.f32 v1, v61;
	v1 =	vld [tilespmem:$0x1FEE0]  }
0x255: {  	v9 =	vbroadcast v34, $0xE;
	v7 =	vbroadcast v34, $0xD  }
0x256: {  	v34 =	vmul.f32 v21, v2;
	v21 =	vadd.f32 v22, v6;
	v47 =	vmul.f32 v52, v3  }
0x257: {  	v52 =	vmul.f32 v57, v2;
	v57 =	vmul.f32 v62, v3;
	v62 =	vadd.f32 v41, v40  }
0x258: {  	v22 =	vadd.f32 v24, v6;
	v24 =	vadd.f32 v33, v6  }
0x259: {  	v33 =	vadd.f32 v47, v46;
	v46 =	vadd.f32 v1, v62;
	v1 =	vld [tilespmem:$0x1FEF0];
	_ =	sdelay $0x3  }
0x25a: {  	v49 =	vmul.f32 v54, v3;
	v54 =	vmul.f32 v59, v2  }
0x25b: {  	v16 =	vmul.f32 v1, v5;
	v1 =	vld [tilespmem:$0x1FF00];
	_ =	sdelay $0x1  }
0x25c: {  	v10 =	vadd.f32 v10, v6;
	v4 =	vmul.f32 v4, v3  }
0x25d: {  	v11 =	vadd.f32 v11, v6;
	v37 =	vadd.f32 v55, v54;
	v54 =	vmov v20;
	v20 =	vld [tilespmem:$0x1FE80]  }
0x25e: {  	v12 =	vadd.f32 v12, v6;
	v39 =	vadd.f32 v4, v58;
	v4 =	vld [tilespmem:$0x1FEA0]  }
0x25f: {  	v13 =	vadd.f32 v13, v6;
	v47 =	vadd.f32 v1, v63;
	v1 =	vld [tilespmem:$0x1FF10]  }
0x260: {  	v15 =	vadd.f32 v15, v6;
	v17 =	vadd.f32 v17, v6  }
0x261: {  	v19 =	vadd.f32 v19, v6;
	v25 =	vadd.f32 v25, v6  }
0x262: {  	v26 =	vadd.f32 v26, v6;
	v59 =	vadd.f32 v35, v34  }
0x263: {  	v34 =	vadd.f32 v49, v48;
	v49 =	vmul.f32 v20, v5;
	v20 =	vmul.f32 v4, v5;
	v4 =	vld [tilespmem:$0x1FEB0]  }
0x264: {  	p0 =	sne.s32 s26, $0x3FC0;
	v27 =	vadd.f32 v27, v6;
	v48 =	vadd.f32 v1, v0;
	v0 =	vld [tilespmem:$0x1FF20]  }
.Ltmp10:
0x265: {  	v29 =	vadd.f32 v29, v6;
	v14 =	vmul.f32 v14, v3;
	v30 =	vadd.f32 v30, v6;
	(pc) =	sbr.rel @p0 .LBB2_23-.Ltmp10, $4  }
0x266: {  	v28 =	vadd.f32 v28, v6;
	v8 =	vmul.f32 v8, v3;
	v7 =	vmul.f32 v7, v2  }
0x267: {  	v9 =	vmul.f32 v9, v2;
	v35 =	vadd.f32 v51, v50;
	v36 =	vadd.f32 v53, v52  }
0x268: {  	v55 =	vld [tilespmem:$0x1FE70];
	v38 =	vadd.f32 v57, v56;
	v40 =	vadd.f32 v8, v7  }
0x269: {  	s26 =	sadd.s32 $0x40, s26;
	v8 =	vld [tilespmem:$0x1FE90];
	v41 =	vadd.f32 v14, v9;
	v43 =	vadd.f32 v4, v59;
	v14 =	vmul.f32 v0, v5  }
0x26a: {  	v0 =	vadd.f32 v31, v33  }
0x26b: {  	v1 =	vadd.f32 v32, v34;
	v3 =	vadd.f32 v49, v35  }
0x26c: {  	v4 =	vadd.f32 v20, v36;
	v7 =	vadd.f32 v18, v37  }
0x26d: {  	v11 =	vadd.f32 v44, v11;
	v12 =	vadd.f32 v45, v12  }
0x26e: {  	v2 =	vmul.f32 v23, v5;
	v13 =	vadd.f32 v46, v13;
	v57 =	vadd.f32 v47, v15  }
0x26f: {  	v58 =	vadd.f32 v48, v17;
	v9 =	vadd.f32 v14, v39  }
0x270: {  	v10 =	vadd.f32 v43, v10;
	v2 =	vadd.f32 v2, v40  }
0x271: {  	v0 =	vadd.f32 v0, v19;
	v1 =	vadd.f32 v1, v21  }
0x272: {  	v3 =	vadd.f32 v3, v22;
	v4 =	vadd.f32 v4, v24  }
0x273: {  	v7 =	vadd.f32 v7, v25;
	v56 =	vmul.f32 v55, v5;
	v6 =	vmul.f32 v8, v5  }
0x274: {  	v9 =	vadd.f32 v9, v27;
	v8 =	vadd.f32 v16, v38  }
0x275: {  	v59 =	vmin.f32 v57, v58;
	v5 =	vadd.f32 v56, v42;
	v6 =	vadd.f32 v6, v41  }
0x276: {  	v10 =	vmin.f32 v10, v11;
	v2 =	vadd.f32 v2, v29;
	v8 =	vadd.f32 v8, v26  }
0x277: {  	v11 =	vmin.f32 v12, v13;
	v5 =	vadd.f32 v5, v28;
	v6 =	vadd.f32 v6, v30  }
0x278: {  	v0 =	vmin.f32 v0, v1;
	v60 =	vmin.f32 v3, v4;
	v63 =	vmin.f32 v10, v11  }
0x279: {  	v2 =	vmin.f32 v9, v2;
	v61 =	vmin.f32 v7, v8;
	v62 =	vmin.f32 v6, v5  }
0x27a: {  	v0 =	vmin.f32 v59, v0;
	v1 =	vmin.f32 v60, v61;
	v2 =	vmin.f32 v2, v62  }
0x27b: {  	s25 =	sadd.s32 $0x1, s25;
	v0 =	vmin.f32 v63, v0;
	v1 =	vmin.f32 v1, v2  }
0x27c: {  	p0 =	sne.s32 s25, $0x8;
	v10 =	vld [tilespmem:$0x1FFF0];
	v0 =	vmin.f32 v0, v1  }
.Ltmp11:
0x27d: {  	v0 =	vmin.f32 v54, v0;
	(pc) =	sbr.rel @p0 .LBB2_22-.Ltmp11, $3  }
0x27e: {  	v0 =	vmax.f32 v0, $0.0e+00  }
0x27f: {  	v0 =	vmul.f32 $6.103515630e-05, v0;
	_ =	sdelay $0x1  }
0x280: {  	v10 =	vadd.f32 v0, v10  }
0x281: {  	s24 =	sadd.s32 $0x1, s24  }
0x282: {  	p0 =	sne.s32 s24, s16  }
.Ltmp12:
0x283: {  	[tilespmem:$0x4200] =	vst v10;
	(pc) =	sbr.rel @p0 .LBB2_1-.Ltmp12, $4  }
0x284: {  	[hbm4b:s15+s2] =	stream.linear.scatter [tilespmem:s23], [sflag:$0x1], $0x80, $0x38;
	[tilespmem:$0x4280] =	vst v63  }
0x285: {  	_ =	swait.ge [sflag:s17], $0x80  }
0x286: {  	[sflag:s17] =	ssyncset.done $0x0  }
0x287: {  	v0 =	vimm.f32 $0.0e+00;
	[sflag:s17] =	ssyncadd.s32 $0xFFFFFF80  }
0x288: {  	_ =	sfence.sel $0x180000  }
0x289: {  	[bflag:$0x0] =	sbarrier.arrive $0xFFFF  }
0x28a: {  	p0 =	sne.s32 s1, $0x0;
	_ =	strace $0x90000047  }
0x28b: {  	s0 =	sadd.s32 @!p0 $0x100000, s0;
	[bflag:$0x2] =	sbarrier.arrive $0xFFFF  }
0x28c: {  	[sflag:s0] =	ssyncadd.tile.s32 @!p0 $0x1;
	_ =	shalt  }
.Lfunc_end2:
_tile_overlayer_lowered:
.L_overlay_start_2:
0x28d: {  	(tag) =	ssettag $0x2  }
0x28e: {  	s0 =	rddreg [dreg:$0x0];
	s2 =	stileid.u32  }
0x28f: {  	s1 =	rddreg [dreg:$0x1];
	p0 =	sne.s32 s2, $0x0  }
0x290: {  	s3 =	rddreg [dreg:$0x2];
	[bflag:$0x3] =	sbarrier.arrive $0xFFFF;
	s2 =	simm.s32 @!p0 $0x1C01  }
0x291: {  	[timem:s3], [sflag:s2] =	dma.local @!p0 [hbm:s0], s1  }
0x292: {  	s0 =	simm.s32 @!p0 $0x1  }
0x293: {  	_ =	swait.ge @!p0 [sflag:s0], s1  }
0x294: {  	s1 =	ssub.s32 @!p0 $0x0, s1;
	[sflag:s0] =	ssyncset.done @!p0 $0x0  }
0x295: {  	[sflag:s0] =	ssyncadd.s32 @!p0 s1  }
0x296: {  	[bflag:$0x3] =	sbarrier.arrive $0xFFFF  }
0x297: {  	_ =	shalt  }

</sc_bundles>
